<compile_context>
chip_gen: v7x
topology: tpu7x:2x2x1
jax: 0.10.2.dev20260603
libtpu: 0.0.44.dev20260713+nightly
codegen_flags: <defaults>
</compile_context>

<pallas_src>
import functools
import math

import jax
import jax.numpy as jnp
from jax.experimental import pallas as pl
from jax.experimental.pallas import tpu as pltpu
from jax.experimental.pallas import tpu_sc as plsc

B, S, D = 8, 512, 64
K_CODE = 8192
HEADS = 8
DH = D // HEADS
KERNELS = (3, 5, 7, 9)
MAXPAD = max(KERNELS) // 2
TOK = B * S
CB_CHUNK = 2048



def _encoder_body(x_ref, pos_ref, wt_ref, cb4_ref, pjw_ref, pjb_ref,
                  aiw_ref, aib_ref, aow_ref, aob_ref, out_ref):
    x = x_ref[0] + pos_ref[...]
    zeros = jnp.zeros((MAXPAD, D), jnp.float32)
    xpad = jnp.concatenate([zeros, x, zeros], axis=0)

    ys = []
    off = 0
    for i, k in enumerate(KERNELS):
        p = k // 2
        xcat = jnp.concatenate(
            [xpad[MAXPAD - p + t:MAXPAD - p + t + S, :] for t in range(k)],
            axis=1)
        w = wt_ref[off:off + k].reshape(k * D, D)
        off += k
        y = jax.lax.dot(xcat, w) + cb4_ref[i][None, :]
        ys.append(jnp.maximum(y, 0.0))
    multi = jnp.concatenate(ys, axis=1)

    projected = jax.lax.dot(multi, pjw_ref[...]) + pjb_ref[...]
    qkv = jax.lax.dot(projected, aiw_ref[...]) + aib_ref[...]
    q = qkv[:, :D]
    k_ = qkv[:, D:2 * D]
    v = qkv[:, 2 * D:]

    scale = jnp.sqrt(jnp.float32(DH))
    os_ = []
    for h in range(HEADS):
        sl = slice(h * DH, (h + 1) * DH)
        qh, kh, vh = q[:, sl], k_[:, sl], v[:, sl]
        logits = jax.lax.dot_general(
            qh, kh, (((1,), (1,)), ((), ()))) / scale
        mx = jnp.max(logits, axis=-1, keepdims=True)
        e = jnp.exp(logits - mx)
        s = jnp.sum(e, axis=-1, keepdims=True)
        os_.append(jax.lax.dot(e, vh) / s)
    o = jnp.concatenate(os_, axis=1)

    attended = jax.lax.dot(o, aow_ref[...]) + aob_ref[...]
    out_ref[0] = projected + attended


def _run_encoder(x, params):
    wt = jnp.concatenate(
        [jnp.transpose(w, (2, 1, 0)) for w in params['conv_w']], axis=0)
    cb4 = jnp.stack(params['conv_b'], axis=0)
    pjw = params['proj_w'].T
    aiw = params['attn_in_w'].T
    aow = params['attn_out_w'].T

    specs = [
        pl.BlockSpec((1, S, D), lambda b: (b, 0, 0)),
        pl.BlockSpec((S, D), lambda b: (0, 0)),
        pl.BlockSpec((sum(KERNELS), D, D), lambda b: (0, 0, 0)),
        pl.BlockSpec((len(KERNELS), D), lambda b: (0, 0)),
        pl.BlockSpec((4 * D, D), lambda b: (0, 0)),
        pl.BlockSpec((1, D), lambda b: (0, 0)),
        pl.BlockSpec((D, 3 * D), lambda b: (0, 0)),
        pl.BlockSpec((1, 3 * D), lambda b: (0, 0)),
        pl.BlockSpec((D, D), lambda b: (0, 0)),
        pl.BlockSpec((1, D), lambda b: (0, 0)),
    ]
    return pl.pallas_call(
        _encoder_body,
        grid=(B,),
        in_specs=specs,
        out_specs=pl.BlockSpec((1, S, D), lambda b: (b, 0, 0)),
        out_shape=jax.ShapeDtypeStruct((B, S, D), jnp.float32),
        compiler_params=pltpu.CompilerParams(
            dimension_semantics=("parallel",)),
    )(x, params['pos'], wt, cb4, pjw, params['proj_b'][None, :],
      aiw, params['attn_in_b'][None, :], aow, params['attn_out_b'][None, :])



def _vq_body(flat_ref, x2_ref, cb_ref, idx_ref):
    flat = flat_ref[0]
    x2 = x2_ref[0]
    best_d = jnp.full((S,), jnp.inf, jnp.float32)
    best_i = jnp.zeros((S,), jnp.int32)
    for c0 in range(0, K_CODE, CB_CHUNK):
        cb = cb_ref[c0:c0 + CB_CHUNK, :]
        c2 = jnp.sum(cb ** 2, axis=1)
        m = jax.lax.dot_general(flat, cb, (((1,), (1,)), ((), ())))
        d = (x2 + c2[None, :]) - 2.0 * m
        loc_d = jnp.min(d, axis=1)
        iota = jax.lax.broadcasted_iota(jnp.int32, d.shape, 1)
        cand = jnp.where(d == loc_d[:, None], iota, K_CODE)
        loc_i = jnp.min(cand, axis=1) + c0
        upd = loc_d < best_d
        best_d = jnp.where(upd, loc_d, best_d)
        best_i = jnp.where(upd, loc_i, best_i)
    idx_ref[0, 0] = best_i


def _run_vq(flat, x2, codebook):
    n = flat.shape[0]
    return pl.pallas_call(
        _vq_body,
        grid=(n // S,),
        in_specs=[
            pl.BlockSpec((1, S, D), lambda t: (t, 0, 0)),
            pl.BlockSpec((1, S, 1), lambda t: (t, 0, 0)),
            pl.BlockSpec((K_CODE, D), lambda t: (0, 0)),
        ],
        out_specs=pl.BlockSpec((1, 1, S), lambda t: (t, 0, 0)),
        out_shape=jax.ShapeDtypeStruct((n // S, 1, S), jnp.int32),
        compiler_params=pltpu.CompilerParams(
            dimension_semantics=("parallel",)),
    )(flat.reshape(n // S, S, D), x2.reshape(n // S, S, 1), codebook)



_GATHER_W = 128


def _sc_gather(cb_wide, idx):
    n = idx.shape[0]
    indices = idx.reshape(1, n)
    mesh = plsc.VectorSubcoreMesh(
        core_axis_name="core", subcore_axis_name="subcore")

    @functools.partial(
        pl.kernel,
        out_type=jax.ShapeDtypeStruct((n, 128), cb_wide.dtype),
        mesh=mesh)
    def kern(x_hbm, i_hbm, o_hbm):
        def body(i_vmem, o_vmem):
            pltpu.sync_copy(x_hbm.at[i_vmem.at[0]], o_vmem)

        pltpu.emit_pipeline(
            body,
            grid=(n // _GATHER_W,),
            in_specs=[pl.BlockSpec((1, _GATHER_W), index_map=lambda i: (0, i))],
            out_specs=[pl.BlockSpec((_GATHER_W, 128), index_map=lambda i: (i, 0))],
            core_axis_name='subcore',
            dimension_semantics=(pltpu.PARALLEL,),
        )(i_hbm, o_hbm)

    return kern(cb_wide, indices)



def _finish_body(e_ref, g_ref, hw_ref, qst_ref, bits_ref, loss_ref):
    e = e_ref[...]
    q = g_ref[:, :D]
    diff = q - e
    qst = e + diff
    qst_ref[...] = qst
    loss_ref[...] = (1.25 * jnp.mean(diff * diff)).reshape(1, 1)
    h = jax.lax.dot_general(qst, hw_ref[...], (((1,), (1,)), ((), ())))
    bits_ref[...] = (h > 0.0).astype(jnp.float32)


def _run_finish(flat, g, hash_ws):
    hw = jnp.concatenate(hash_ws, axis=0)
    return pl.pallas_call(
        _finish_body,
        in_specs=[
            pl.BlockSpec((TOK, D), lambda: (0, 0)),
            pl.BlockSpec((TOK, 128), lambda: (0, 0)),
            pl.BlockSpec((D, D), lambda: (0, 0)),
        ],
        out_specs=[
            pl.BlockSpec((TOK, D), lambda: (0, 0)),
            pl.BlockSpec((TOK, D), lambda: (0, 0)),
            pl.BlockSpec((1, 1), lambda: (0, 0)),
        ],
        out_shape=[
            jax.ShapeDtypeStruct((TOK, D), jnp.float32),
            jax.ShapeDtypeStruct((TOK, D), jnp.float32),
            jax.ShapeDtypeStruct((1, 1), jnp.float32),
        ],
    )(flat, g, hw)



def kernel(inputs, params):
    encoded = _run_encoder(inputs, params)
    flat = encoded.reshape(TOK, D)
    x2 = jnp.sum(flat ** 2, axis=1, keepdims=True)
    cb_wide = jnp.pad(params['codebook'], ((0, 0), (0, 128 - D)))
    idx = _run_vq(flat, x2, params['codebook'])
    g = _sc_gather(cb_wide, idx.reshape(TOK))
    qst, bits, loss = _run_finish(flat, g, params['hash_w'])
    hash_codes = bits.reshape(B, S, len(params['hash_w']), -1)
    return (qst.reshape(B, S, D), loss.reshape(()), idx.reshape(B, S),
            hash_codes)

# --- scband reference (transcript-rebuilt; emitter-appended) ---
"""Pipeline reference for scband-semantic-idframework-45268955299926 (READ-ONLY COPY).

The authoritative reference and input builder live on the scoring server;
editing this copy changes nothing except your own understanding.
"""

import jax, jax.numpy as jnp
import numpy as np

B, S, D = 8, 512, 64
K_CODE = 8192
HASH_LEN = 16
N_HASH = 4
HEADS = 8
KERNELS = [3, 5, 7, 9]


def setup_inputs(seed: int = 0) -> dict:
    key = jax.random.key(seed)
    ks = jax.random.split(key, 24)
    inputs = jax.random.normal(ks[0], (B, S, D), dtype=jnp.float32)
    params = {
        'pos': 0.02 * jax.random.normal(ks[1], (S, D), dtype=jnp.float32),
        'conv_w': [0.05 * jax.random.normal(ks[2 + i], (D, D, k), dtype=jnp.float32) for i, k in enumerate(KERNELS)],
        'conv_b': [jnp.zeros((D,), dtype=jnp.float32) for _ in KERNELS],
        'proj_w': 0.02 * jax.random.normal(ks[6], (D, len(KERNELS) * D), dtype=jnp.float32),
        'proj_b': jnp.zeros((D,), dtype=jnp.float32),
        'attn_in_w': 0.02 * jax.random.normal(ks[7], (3 * D, D), dtype=jnp.float32),
        'attn_in_b': jnp.zeros((3 * D,), dtype=jnp.float32),
        'attn_out_w': 0.02 * jax.random.normal(ks[8], (D, D), dtype=jnp.float32),
        'attn_out_b': jnp.zeros((D,), dtype=jnp.float32),
        'codebook': jax.random.uniform(ks[9], (K_CODE, D), dtype=jnp.float32, minval=-1.0 / K_CODE, maxval=1.0 / K_CODE),
        'hash_w': [0.1 * jax.random.normal(ks[10 + i], (HASH_LEN, D), dtype=jnp.float32) for i in range(N_HASH)],
    }
    return {'inputs': inputs, 'params': params}


def _subsequence_encode(x, params):
    x = x + params['pos'][None, :, :]
    xt = jnp.transpose(x, (0, 2, 1))  # [B, D, S]
    scales = []
    for w, b, k in zip(params['conv_w'], params['conv_b'], KERNELS):
        p = k // 2
        y = jax.lax.conv_general_dilated(xt, w, window_strides=(1,), padding=[(p, p)], dimension_numbers=('NCH', 'OIH', 'NCH'))
        y = y + b[None, :, None]
        y = jax.nn.relu(y)
        scales.append(jnp.transpose(y, (0, 2, 1)))
    multi = jnp.concatenate(scales, axis=-1)  # [B, S, 4D]
    projected = multi @ params['proj_w'].T + params['proj_b']
    # multihead self-attention, batch_first
    qkv = projected @ params['attn_in_w'].T + params['attn_in_b']
    q, k_, v = jnp.split(qkv, 3, axis=-1)
    dh = D // HEADS
    def split_heads(t):
        return jnp.transpose(t.reshape(B, S, HEADS, dh), (0, 2, 1, 3))
    qh, kh, vh = split_heads(q), split_heads(k_), split_heads(v)
    logits = (qh @ jnp.transpose(kh, (0, 1, 3, 2))) / jnp.sqrt(jnp.float32(dh))
    att = jax.nn.softmax(logits, axis=-1)
    o = att @ vh
    o = jnp.transpose(o, (0, 2, 1, 3)).reshape(B, S, D)
    attended = o @ params['attn_out_w'].T + params['attn_out_b']
    return projected + attended


def _vector_quantize(encoded, codebook):
    flat = encoded.reshape(-1, D)
    distances = (jnp.sum(flat ** 2, axis=1, keepdims=True)
                 + jnp.sum(codebook ** 2, axis=1)
                 - 2.0 * flat @ codebook.T)
    idx = jnp.argmin(distances, axis=1)
    quantized = jnp.take(codebook, idx, axis=0).reshape(encoded.shape)
    commitment_loss = jnp.mean((jax.lax.stop_gradient(quantized) - encoded) ** 2)
    codebook_loss = jnp.mean((quantized - jax.lax.stop_gradient(encoded)) ** 2)
    loss = 0.25 * commitment_loss + codebook_loss
    quantized_st = encoded + jax.lax.stop_gradient(quantized - encoded)
    return quantized_st, loss, idx.reshape(encoded.shape[:-1])


def _hash_encode(x, hash_ws):
    codes = [( (x @ hw.T) > 0.0 ).astype(jnp.float32) for hw in hash_ws]
    return jnp.stack(codes, axis=-2)  # [B, S, N_HASH, HASH_LEN]


def reference(inputs, params):
    encoded = _subsequence_encode(inputs, params)
    quantized, vq_loss, indices = _vector_quantize(encoded, params['codebook'])
    hash_codes = _hash_encode(quantized, params['hash_w'])
    return quantized, vq_loss, indices, hash_codes

if __name__ == "__main__":
    import jax
    _d = setup_inputs()
    print(jax.jit(kernel)(*tuple(_d.values())))

</pallas_src>

<mosaic_0001>
#map = affine_map<(d0, d1) -> (0, 0)>
module attributes {stable_mosaic.version = 14 : i64} {
  func.func @kern(%arg0: i32, %arg1: i32, %arg2: memref<8192x128xf32, #tpu.memory_space<hbm>>, %arg3: memref<1x4096xi32, #tpu.memory_space<hbm>>, %arg4: memref<4096x128xf32, #tpu.memory_space<hbm>>) attributes {dimension_semantics = [#tpu.dimension_semantics<core_parallel>, #tpu.dimension_semantics<subcore_parallel>], iteration_bounds = array<i64: 2, 16>, scalar_prefetch = 0 : i64, scratch_operands = 0 : i64, tpu.core_type = #tpu.core_type<sc_vector_subcore>, window_params = [{transform_indices = #map}, {transform_indices = #map}, {transform_indices = #map}]} {
    %mul3A = arith.constant 2 : i32
    %mul3A_0 = arith.muli %arg1, %mul3A : i32
    "tpu.region"() ({
      %run_scoped3A = memref.alloca() : memref<2x1x128xi32, #tpu.memory_space<vmem>>
      %run_scoped3A_1 = tpu.sem_alloc : memref<2x!tpu.dma_semaphore, #tpu.memory_space<semaphore_mem>>
      %run_scoped3A_2 = memref.alloca() : memref<2x128x128xf32, #tpu.memory_space<vmem>>
      %run_scoped3A_3 = tpu.sem_alloc : memref<2x!tpu.dma_semaphore, #tpu.memory_space<semaphore_mem>>
      %add3A = arith.constant 0 : i32
      %add3A_4 = arith.addi %add3A, %mul3A_0 : i32
      %select_n3A = arith.constant true
      %select_n3A_5 = arith.constant 0 : i32
      %select_n3A_6 = arith.constant -1 : i32
      %select_n3A_7 = arith.select %select_n3A, %select_n3A_6, %select_n3A_5 : i32
      %eq3A = arith.constant -1 : i32
      %eq3A_8 = arith.cmpi eq, %select_n3A_7, %eq3A : i32
      %select_n3A_9 = arith.constant 1 : i32
      %select_n3A_10 = arith.select %eq3A_8, %select_n3A_9, %select_n3A_7 : i32
      %add3A_11 = arith.addi %select_n3A_10, %mul3A_0 : i32
      %select_n3A_12 = arith.constant true
      %select_n3A_13 = arith.constant 0 : i32
      %select_n3A_14 = arith.constant 1 : i32
      %select_n3A_15 = arith.select %select_n3A_12, %select_n3A_14, %select_n3A_13 : i32
      %eq3A_16 = arith.constant 2 : i32
      %eq3A_17 = arith.cmpi eq, %select_n3A_15, %eq3A_16 : i32
      %select_n3A_18 = arith.constant 0 : i32
      %select_n3A_19 = arith.select %eq3A_17, %select_n3A_18, %select_n3A_15 : i32
      %add3A_20 = arith.addi %select_n3A_19, %mul3A_0 : i32
      %add3A_21 = arith.constant 1 : i32
      %add3A_22 = arith.addi %select_n3A_19, %add3A_21 : i32
      %select_n3A_23 = arith.constant true
      %select_n3A_24 = arith.select %select_n3A_23, %add3A_22, %select_n3A_19 : i32
      %eq3A_25 = arith.constant 2 : i32
      %eq3A_26 = arith.cmpi eq, %select_n3A_24, %eq3A_25 : i32
      %select_n3A_27 = arith.constant 0 : i32
      %select_n3A_28 = arith.select %eq3A_26, %select_n3A_27, %select_n3A_24 : i32
      %add3A_29 = arith.addi %select_n3A_28, %mul3A_0 : i32
      "tpu.trace_start"() <{level = 10 : i32, message = "ep_initialize_0"}> : () -> ()
      %rem3A = arith.constant 0 : i32
      %rem3A_30 = arith.constant 2 : i32
      %rem3A_31 = arith.remui %rem3A, %rem3A_30 : i32
      %mul3A_32 = arith.constant 128 : i32
      %mul3A_33 = arith.muli %mul3A_32, %add3A_4 : i32
      %dma_start3A = arith.constant 0 : i32
      %dma_start3A_34 = arith.constant 0 : i32
      %dma_start3A_35 = tpu.memref_slice %run_scoped3A[%rem3A_31, %dma_start3A, %dma_start3A_34] : memref<2x1x128xi32, #tpu.memory_space<vmem>> -> memref<1x1x128xi32, #tpu.memory_space<vmem>>
      %dma_start3A_36 = tpu.memref_squeeze %dma_start3A_35 : memref<1x1x128xi32, #tpu.memory_space<vmem>> -> memref<1x128xi32, #tpu.memory_space<vmem>>
      %dma_start3A_37 = arith.constant 0 : i32
      %dma_start3A_38 = tpu.memref_slice %arg3[%dma_start3A_37, %mul3A_33] : memref<1x4096xi32, #tpu.memory_space<hbm>> -> memref<1x128xi32, #tpu.memory_space<hbm>>
      %dma_start3A_39 = tpu.memref_slice %run_scoped3A_1[%rem3A_31] : memref<2x!tpu.dma_semaphore, #tpu.memory_space<semaphore_mem>> -> memref<1x!tpu.dma_semaphore, #tpu.memory_space<semaphore_mem>>
      %dma_start3A_40 = tpu.memref_squeeze %dma_start3A_39 : memref<1x!tpu.dma_semaphore, #tpu.memory_space<semaphore_mem>> -> memref<!tpu.dma_semaphore, #tpu.memory_space<semaphore_mem>>
      %dma_start3A_41 = arith.constant 0 : i32
      %dma_start3A_42 = arith.constant 0 : i32
      %dma_start3A_43 = tpu.memref_slice %run_scoped3A[%rem3A_31, %dma_start3A_41, %dma_start3A_42] : memref<2x1x128xi32, #tpu.memory_space<vmem>> -> memref<1x1x128xi32, #tpu.memory_space<vmem>>
      %dma_start3A_44 = tpu.memref_squeeze %dma_start3A_43 : memref<1x1x128xi32, #tpu.memory_space<vmem>> -> memref<1x128xi32, #tpu.memory_space<vmem>>
      %dma_start3A_45 = arith.constant 0 : i32
      %dma_start3A_46 = tpu.memref_slice %arg3[%dma_start3A_45, %mul3A_33] : memref<1x4096xi32, #tpu.memory_space<hbm>> -> memref<1x128xi32, #tpu.memory_space<hbm>>
      tpu.enqueue_dma source(%dma_start3A_46 : memref<1x128xi32, #tpu.memory_space<hbm>>) target(%dma_start3A_44 : memref<1x128xi32, #tpu.memory_space<vmem>>) target_semaphore(%dma_start3A_40 : memref<!tpu.dma_semaphore, #tpu.memory_space<semaphore_mem>>)
      %add3A_47 = arith.constant 0 : i32
      %add3A_48 = arith.constant 1 : i32
      %add3A_49 = arith.addi %add3A_47, %add3A_48 : i32
      %select_n3A_50 = arith.constant true
      %select_n3A_51 = arith.constant 0 : i32
      %select_n3A_52 = arith.select %select_n3A_50, %add3A_49, %select_n3A_51 : i32
      "tpu.trace_stop"() : () -> ()
      %scan3A = arith.constant 0 : i32
      %scan3A_53 = arith.constant 0 : i32
      %scan3A_54 = arith.constant 0 : i32
      %scan3A_55 = arith.constant 0 : i32
      %scan3A_56 = arith.constant 0 : i32
      %scan3A_57 = arith.constant 2 : i32
      %scan3A_58 = arith.addi %scan3A_56, %scan3A_57 : i32
      %scan3A_59 = arith.constant 1 : i32
      %scan3A_60:5 = scf.for %scan3A_114 = %scan3A_56 to %scan3A_58 step %scan3A_59 iter_args(%scan3A_115 = %select_n3A_52, %scan3A_116 = %scan3A, %scan3A_117 = %scan3A_53, %scan3A_118 = %scan3A_54, %scan3A_119 = %scan3A_55) -> (i32, i32, i32, i32, i32)  : i32 {
        %eq3A_120 = arith.constant 0 : i32
        %eq3A_121 = arith.cmpi eq, %scan3A_114, %eq3A_120 : i32
        %eq3A_122 = arith.constant 1 : i32
        %eq3A_123 = arith.cmpi eq, %scan3A_114, %eq3A_122 : i32
        %add3A_124 = arith.addi %scan3A_119, %mul3A_0 : i32
        %sub3A_125 = arith.constant 1 : i32
        %sub3A_126 = arith.subi %scan3A_119, %sub3A_125 : i32
        %select_n3A_127 = arith.constant true
        %select_n3A_128 = arith.select %select_n3A_127, %sub3A_126, %scan3A_119 : i32
        %eq3A_129 = arith.constant -1 : i32
        %eq3A_130 = arith.cmpi eq, %select_n3A_128, %eq3A_129 : i32
        %select_n3A_131 = arith.constant 1 : i32
        %select_n3A_132 = arith.select %eq3A_130, %select_n3A_131, %select_n3A_128 : i32
        %add3A_133 = arith.addi %select_n3A_132, %mul3A_0 : i32
        %add3A_134 = arith.constant 1 : i32
        %add3A_135 = arith.addi %scan3A_119, %add3A_134 : i32
        %select_n3A_136 = arith.constant true
        %select_n3A_137 = arith.select %select_n3A_136, %add3A_135, %scan3A_119 : i32
        %eq3A_138 = arith.constant 2 : i32
        %eq3A_139 = arith.cmpi eq, %select_n3A_137, %eq3A_138 : i32
        %select_n3A_140 = arith.constant 0 : i32
        %select_n3A_141 = arith.select %eq3A_139, %select_n3A_140, %select_n3A_137 : i32
        %add3A_142 = arith.addi %select_n3A_141, %mul3A_0 : i32
        %add3A_143 = arith.constant 1 : i32
        %add3A_144 = arith.addi %select_n3A_141, %add3A_143 : i32
        %select_n3A_145 = arith.constant true
        %select_n3A_146 = arith.select %select_n3A_145, %add3A_144, %select_n3A_141 : i32
        %eq3A_147 = arith.constant 2 : i32
        %eq3A_148 = arith.cmpi eq, %select_n3A_146, %eq3A_147 : i32
        %select_n3A_149 = arith.constant 0 : i32
        %select_n3A_150 = arith.select %eq3A_148, %select_n3A_149, %select_n3A_146 : i32
        %add3A_151 = arith.addi %select_n3A_150, %mul3A_0 : i32
        %ne3A = arith.cmpi ne, %add3A_124, %add3A_142 : i32
        %or3A = arith.constant false
        %or3A_152 = arith.ori %or3A, %ne3A : i1
        %ge3A = arith.constant 1 : i32
        %ge3A_153 = arith.cmpi sge, %scan3A_114, %ge3A : i32
        %not3A = arith.constant true
        %not3A_154 = arith.xori %ge3A_153, %not3A : i1
        %and3A = arith.andi %or3A_152, %not3A_154 : i1
        %convert_element_type3A = arith.extui %and3A : i1 to i32
        %cond3A = arith.constant 0 : i32
        %cond3A_155 = arith.cmpi ne, %convert_element_type3A, %cond3A : i32
        scf.if %cond3A_155 {
          "tpu.trace_start"() <{level = 10 : i32, message = "ep_copy_in"}> : () -> ()
          %rem3A_257 = arith.constant 2 : i32
          %rem3A_258 = arith.remui %scan3A_115, %rem3A_257 : i32
          %mul3A_259 = arith.constant 128 : i32
          %mul3A_260 = arith.muli %mul3A_259, %add3A_142 : i32
          %dma_start3A_261 = arith.constant 0 : i32
          %dma_start3A_262 = arith.constant 0 : i32
          %dma_start3A_263 = tpu.memref_slice %run_scoped3A[%rem3A_258, %dma_start3A_261, %dma_start3A_262] : memref<2x1x128xi32, #tpu.memory_space<vmem>> -> memref<1x1x128xi32, #tpu.memory_space<vmem>>
          %dma_start3A_264 = tpu.memref_squeeze %dma_start3A_263 : memref<1x1x128xi32, #tpu.memory_space<vmem>> -> memref<1x128xi32, #tpu.memory_space<vmem>>
          %dma_start3A_265 = arith.constant 0 : i32
          %dma_start3A_266 = tpu.memref_slice %arg3[%dma_start3A_265, %mul3A_260] : memref<1x4096xi32, #tpu.memory_space<hbm>> -> memref<1x128xi32, #tpu.memory_space<hbm>>
          %dma_start3A_267 = tpu.memref_slice %run_scoped3A_1[%rem3A_258] : memref<2x!tpu.dma_semaphore, #tpu.memory_space<semaphore_mem>> -> memref<1x!tpu.dma_semaphore, #tpu.memory_space<semaphore_mem>>
          %dma_start3A_268 = tpu.memref_squeeze %dma_start3A_267 : memref<1x!tpu.dma_semaphore, #tpu.memory_space<semaphore_mem>> -> memref<!tpu.dma_semaphore, #tpu.memory_space<semaphore_mem>>
          %dma_start3A_269 = arith.constant 0 : i32
          %dma_start3A_270 = arith.constant 0 : i32
          %dma_start3A_271 = tpu.memref_slice %run_scoped3A[%rem3A_258, %dma_start3A_269, %dma_start3A_270] : memref<2x1x128xi32, #tpu.memory_space<vmem>> -> memref<1x1x128xi32, #tpu.memory_space<vmem>>
          %dma_start3A_272 = tpu.memref_squeeze %dma_start3A_271 : memref<1x1x128xi32, #tpu.memory_space<vmem>> -> memref<1x128xi32, #tpu.memory_space<vmem>>
          %dma_start3A_273 = arith.constant 0 : i32
          %dma_start3A_274 = tpu.memref_slice %arg3[%dma_start3A_273, %mul3A_260] : memref<1x4096xi32, #tpu.memory_space<hbm>> -> memref<1x128xi32, #tpu.memory_space<hbm>>
          tpu.enqueue_dma source(%dma_start3A_274 : memref<1x128xi32, #tpu.memory_space<hbm>>) target(%dma_start3A_272 : memref<1x128xi32, #tpu.memory_space<vmem>>) target_semaphore(%dma_start3A_268 : memref<!tpu.dma_semaphore, #tpu.memory_space<semaphore_mem>>)
          "tpu.trace_stop"() : () -> ()
        } else {
        }
        %and3A_156 = arith.constant true
        %and3A_157 = arith.andi %and3A, %and3A_156 : i1
        %add3A_158 = arith.constant 1 : i32
        %add3A_159 = arith.addi %scan3A_115, %add3A_158 : i32
        %select_n3A_160 = arith.select %and3A_157, %add3A_159, %scan3A_115 : i32
        %ne3A_161 = arith.cmpi ne, %add3A_124, %add3A_142 : i32
        %or3A_162 = arith.constant false
        %or3A_163 = arith.ori %or3A_162, %ne3A_161 : i1
        %or3A_164 = arith.constant false
        %or3A_165 = arith.ori %or3A_163, %or3A_164 : i1
        %ge3A_166 = arith.constant 1 : i32
        %ge3A_167 = arith.cmpi sge, %scan3A_114, %ge3A_166 : i32
        %not3A_168 = arith.constant true
        %not3A_169 = arith.xori %ge3A_167, %not3A_168 : i1
        %and3A_170 = arith.andi %or3A_165, %not3A_169 : i1
        %ne3A_171 = arith.cmpi ne, %add3A_124, %add3A_133 : i32
        %or3A_172 = arith.constant false
        %or3A_173 = arith.ori %or3A_172, %ne3A_171 : i1
        %or3A_174 = arith.ori %or3A_173, %eq3A_121 : i1
        %convert_element_type3A_175 = arith.extui %or3A_174 : i1 to i32
        %cond3A_176 = arith.constant 0 : i32
        %cond3A_177 = arith.cmpi ne, %convert_element_type3A_175, %cond3A_176 : i32
        scf.if %cond3A_177 {
          "tpu.trace_start"() <{level = 10 : i32, message = "ep_wait_in"}> : () -> ()
          %mul3A_257 = arith.constant 128 : i32
          %mul3A_258 = arith.muli %mul3A_257, %add3A_124 : i32
          %rem3A_259 = arith.constant 2 : i32
          %rem3A_260 = arith.remui %scan3A_116, %rem3A_259 : i32
          %dma_wait3A_261 = arith.constant 0 : i32
          %dma_wait3A_262 = arith.constant 0 : i32
          %dma_wait3A_263 = tpu.memref_slice %run_scoped3A[%rem3A_260, %dma_wait3A_261, %dma_wait3A_262] : memref<2x1x128xi32, #tpu.memory_space<vmem>> -> memref<1x1x128xi32, #tpu.memory_space<vmem>>
          %dma_wait3A_264 = tpu.memref_squeeze %dma_wait3A_263 : memref<1x1x128xi32, #tpu.memory_space<vmem>> -> memref<1x128xi32, #tpu.memory_space<vmem>>
          %dma_wait3A_265 = arith.constant 0 : i32
          %dma_wait3A_266 = tpu.memref_slice %arg3[%dma_wait3A_265, %mul3A_258] : memref<1x4096xi32, #tpu.memory_space<hbm>> -> memref<1x128xi32, #tpu.memory_space<hbm>>
          %dma_wait3A_267 = tpu.memref_slice %run_scoped3A_1[%rem3A_260] : memref<2x!tpu.dma_semaphore, #tpu.memory_space<semaphore_mem>> -> memref<1x!tpu.dma_semaphore, #tpu.memory_space<semaphore_mem>>
          %dma_wait3A_268 = tpu.memref_squeeze %dma_wait3A_267 : memref<1x!tpu.dma_semaphore, #tpu.memory_space<semaphore_mem>> -> memref<!tpu.dma_semaphore, #tpu.memory_space<semaphore_mem>>
          %dma_wait3A_269 = arith.constant 0 : i32
          %dma_wait3A_270 = arith.constant 0 : i32
          %dma_wait3A_271 = tpu.memref_slice %run_scoped3A[%rem3A_260, %dma_wait3A_269, %dma_wait3A_270] : memref<2x1x128xi32, #tpu.memory_space<vmem>> -> memref<1x1x128xi32, #tpu.memory_space<vmem>>
          %dma_wait3A_272 = tpu.memref_squeeze %dma_wait3A_271 : memref<1x1x128xi32, #tpu.memory_space<vmem>> -> memref<1x128xi32, #tpu.memory_space<vmem>>
          %dma_wait3A_273 = arith.constant 0 : i32
          %dma_wait3A_274 = tpu.memref_slice %arg3[%dma_wait3A_273, %mul3A_258] : memref<1x4096xi32, #tpu.memory_space<hbm>> -> memref<1x128xi32, #tpu.memory_space<hbm>>
          tpu.wait_dma2 semaphore(%dma_wait3A_268 : memref<!tpu.dma_semaphore, #tpu.memory_space<semaphore_mem>>) src(%dma_wait3A_274 : memref<1x128xi32, #tpu.memory_space<hbm>>) dst(%dma_wait3A_272 : memref<1x128xi32, #tpu.memory_space<vmem>>)
          "tpu.trace_stop"() : () -> ()
        } else {
        }
        %ne3A_178 = arith.cmpi ne, %add3A_124, %add3A_133 : i32
        %or3A_179 = arith.constant false
        %or3A_180 = arith.ori %or3A_179, %ne3A_178 : i1
        %or3A_181 = arith.constant false
        %or3A_182 = arith.ori %or3A_180, %or3A_181 : i1
        %or3A_183 = arith.ori %or3A_182, %eq3A_121 : i1
        %convert_element_type3A_184 = arith.extui %or3A_183 : i1 to i32
        %cond3A_185 = arith.constant 0 : i32
        %cond3A_186 = arith.cmpi ne, %convert_element_type3A_184, %cond3A_185 : i32
        scf.if %cond3A_186 {
        } else {
        }
        %rem3A_187 = arith.constant 2 : i32
        %rem3A_188 = arith.remui %scan3A_116, %rem3A_187 : i32
        %rem3A_189 = arith.constant 2 : i32
        %rem3A_190 = arith.remui %scan3A_117, %rem3A_189 : i32
        %run_scoped3A_191 = arith.constant 0 : i32
        "tpu.trace_start"() <{level = 10 : i32, message = "ep_run_kernel"}> : () -> ()
        "tpu.region"() ({
          %run_scoped3A_257 = tpu.sem_alloc : memref<!tpu.dma_semaphore, #tpu.memory_space<semaphore_mem>>
          %dma_start3A_258 = arith.constant 0 : i32
          %dma_start3A_259 = arith.constant 0 : i32
          %dma_start3A_260 = tpu.memref_slice %run_scoped3A_2[%rem3A_190, %dma_start3A_258, %dma_start3A_259] : memref<2x128x128xf32, #tpu.memory_space<vmem>> -> memref<1x128x128xf32, #tpu.memory_space<vmem>>
          %dma_start3A_261 = tpu.memref_squeeze %dma_start3A_260 : memref<1x128x128xf32, #tpu.memory_space<vmem>> -> memref<128x128xf32, #tpu.memory_space<vmem>>
          %dma_start3A_262 = arith.constant 0 : i32
          %dma_start3A_263 = arith.constant 0 : i32
          %dma_start3A_264 = tpu.memref_slice %run_scoped3A[%rem3A_188, %dma_start3A_262, %dma_start3A_263] : memref<2x1x128xi32, #tpu.memory_space<vmem>> -> memref<1x1x128xi32, #tpu.memory_space<vmem>>
          %dma_start3A_265 = tpu.memref_squeeze %dma_start3A_264 : memref<1x1x128xi32, #tpu.memory_space<vmem>> -> memref<1x128xi32, #tpu.memory_space<vmem>>
          %dma_start3A_266 = arith.constant 0 : i32
          %dma_start3A_267 = tpu.memref_slice %dma_start3A_265[%run_scoped3A_191, %dma_start3A_266] : memref<1x128xi32, #tpu.memory_space<vmem>> -> memref<1x128xi32, #tpu.memory_space<vmem>>
          %dma_start3A_268 = tpu.memref_squeeze %dma_start3A_267 : memref<1x128xi32, #tpu.memory_space<vmem>> -> memref<128xi32, #tpu.memory_space<vmem>>
          %dma_start3A_269 = arith.constant 0 : i32
          %dma_start3A_270 = arith.constant 0 : i32
          %dma_start3A_271 = tpu.memref_slice %arg2[%dma_start3A_269, %dma_start3A_270] : memref<8192x128xf32, #tpu.memory_space<hbm>> -> memref<8192x128xf32, #tpu.memory_space<hbm>>
          tpu.enqueue_indirect_dma source(%dma_start3A_271 : memref<8192x128xf32, #tpu.memory_space<hbm>>) target(%dma_start3A_261 : memref<128x128xf32, #tpu.memory_space<vmem>>) offsets(%dma_start3A_268 : memref<128xi32, #tpu.memory_space<vmem>>) semaphore(%run_scoped3A_257 : memref<!tpu.dma_semaphore, #tpu.memory_space<semaphore_mem>>)
          %dma_wait3A_272 = arith.constant 0 : i32
          %dma_wait3A_273 = arith.constant 0 : i32
          %dma_wait3A_274 = tpu.memref_slice %run_scoped3A_2[%rem3A_190, %dma_wait3A_272, %dma_wait3A_273] : memref<2x128x128xf32, #tpu.memory_space<vmem>> -> memref<1x128x128xf32, #tpu.memory_space<vmem>>
          %dma_wait3A_275 = tpu.memref_squeeze %dma_wait3A_274 : memref<1x128x128xf32, #tpu.memory_space<vmem>> -> memref<128x128xf32, #tpu.memory_space<vmem>>
          %dma_wait3A_276 = arith.constant 0 : i32
          %dma_wait3A_277 = arith.constant 0 : i32
          %dma_wait3A_278 = tpu.memref_slice %run_scoped3A[%rem3A_188, %dma_wait3A_276, %dma_wait3A_277] : memref<2x1x128xi32, #tpu.memory_space<vmem>> -> memref<1x1x128xi32, #tpu.memory_space<vmem>>
          %dma_wait3A_279 = tpu.memref_squeeze %dma_wait3A_278 : memref<1x1x128xi32, #tpu.memory_space<vmem>> -> memref<1x128xi32, #tpu.memory_space<vmem>>
          %dma_wait3A_280 = arith.constant 0 : i32
          %dma_wait3A_281 = tpu.memref_slice %dma_wait3A_279[%run_scoped3A_191, %dma_wait3A_280] : memref<1x128xi32, #tpu.memory_space<vmem>> -> memref<1x128xi32, #tpu.memory_space<vmem>>
          %dma_wait3A_282 = tpu.memref_squeeze %dma_wait3A_281 : memref<1x128xi32, #tpu.memory_space<vmem>> -> memref<128xi32, #tpu.memory_space<vmem>>
          %dma_wait3A_283 = arith.constant 0 : i32
          %dma_wait3A_284 = arith.constant 0 : i32
          %dma_wait3A_285 = tpu.memref_slice %arg2[%dma_wait3A_283, %dma_wait3A_284] : memref<8192x128xf32, #tpu.memory_space<hbm>> -> memref<8192x128xf32, #tpu.memory_space<hbm>>
          tpu.wait_indirect_dma semaphore(%run_scoped3A_257 : memref<!tpu.dma_semaphore, #tpu.memory_space<semaphore_mem>>) src(%dma_wait3A_285 : memref<8192x128xf32, #tpu.memory_space<hbm>>) dst(%dma_wait3A_275 : memref<128x128xf32, #tpu.memory_space<vmem>>)
          tpu.yield
        }) : () -> ()
        "tpu.trace_stop"() : () -> ()
        %ne3A_192 = arith.cmpi ne, %add3A_124, %add3A_142 : i32
        %or3A_193 = arith.constant false
        %or3A_194 = arith.ori %or3A_193, %ne3A_192 : i1
        %or3A_195 = arith.ori %or3A_194, %eq3A_123 : i1
        %convert_element_type3A_196 = arith.extui %or3A_195 : i1 to i32
        %cond3A_197 = arith.constant 0 : i32
        %cond3A_198 = arith.cmpi ne, %convert_element_type3A_196, %cond3A_197 : i32
        scf.if %cond3A_198 {
        } else {
        }
        %and3A_199 = arith.constant false
        %and3A_200 = arith.andi %or3A_195, %and3A_199 : i1
        %ne3A_201 = arith.cmpi ne, %add3A_124, %add3A_142 : i32
        %or3A_202 = arith.constant false
        %or3A_203 = arith.ori %or3A_202, %ne3A_201 : i1
        %or3A_204 = arith.constant false
        %or3A_205 = arith.ori %or3A_203, %or3A_204 : i1
        %or3A_206 = arith.ori %or3A_205, %eq3A_123 : i1
        %convert_element_type3A_207 = arith.extui %or3A_206 : i1 to i32
        %cond3A_208 = arith.constant 0 : i32
        %cond3A_209 = arith.cmpi ne, %convert_element_type3A_207, %cond3A_208 : i32
        scf.if %cond3A_209 {
          "tpu.trace_start"() <{level = 10 : i32, message = "ep_copy_out"}> : () -> ()
          %rem3A_257 = arith.constant 2 : i32
          %rem3A_258 = arith.remui %scan3A_117, %rem3A_257 : i32
          %mul3A_259 = arith.constant 128 : i32
          %mul3A_260 = arith.muli %mul3A_259, %add3A_124 : i32
          %dma_start3A_261 = arith.constant 0 : i32
          %dma_start3A_262 = arith.constant 0 : i32
          %dma_start3A_263 = tpu.memref_slice %run_scoped3A_2[%rem3A_258, %dma_start3A_261, %dma_start3A_262] : memref<2x128x128xf32, #tpu.memory_space<vmem>> -> memref<1x128x128xf32, #tpu.memory_space<vmem>>
          %dma_start3A_264 = tpu.memref_squeeze %dma_start3A_263 : memref<1x128x128xf32, #tpu.memory_space<vmem>> -> memref<128x128xf32, #tpu.memory_space<vmem>>
          %dma_start3A_265 = arith.constant 0 : i32
          %dma_start3A_266 = tpu.memref_slice %arg4[%mul3A_260, %dma_start3A_265] : memref<4096x128xf32, #tpu.memory_space<hbm>> -> memref<128x128xf32, #tpu.memory_space<hbm>>
          %dma_start3A_267 = tpu.memref_slice %run_scoped3A_3[%rem3A_258] : memref<2x!tpu.dma_semaphore, #tpu.memory_space<semaphore_mem>> -> memref<1x!tpu.dma_semaphore, #tpu.memory_space<semaphore_mem>>
          %dma_start3A_268 = tpu.memref_squeeze %dma_start3A_267 : memref<1x!tpu.dma_semaphore, #tpu.memory_space<semaphore_mem>> -> memref<!tpu.dma_semaphore, #tpu.memory_space<semaphore_mem>>
          %dma_start3A_269 = arith.constant 0 : i32
          %dma_start3A_270 = tpu.memref_slice %arg4[%mul3A_260, %dma_start3A_269] : memref<4096x128xf32, #tpu.memory_space<hbm>> -> memref<128x128xf32, #tpu.memory_space<hbm>>
          %dma_start3A_271 = arith.constant 0 : i32
          %dma_start3A_272 = arith.constant 0 : i32
          %dma_start3A_273 = tpu.memref_slice %run_scoped3A_2[%rem3A_258, %dma_start3A_271, %dma_start3A_272] : memref<2x128x128xf32, #tpu.memory_space<vmem>> -> memref<1x128x128xf32, #tpu.memory_space<vmem>>
          %dma_start3A_274 = tpu.memref_squeeze %dma_start3A_273 : memref<1x128x128xf32, #tpu.memory_space<vmem>> -> memref<128x128xf32, #tpu.memory_space<vmem>>
          tpu.enqueue_dma source(%dma_start3A_274 : memref<128x128xf32, #tpu.memory_space<vmem>>) target(%dma_start3A_270 : memref<128x128xf32, #tpu.memory_space<hbm>>) target_semaphore(%dma_start3A_268 : memref<!tpu.dma_semaphore, #tpu.memory_space<semaphore_mem>>)
          "tpu.trace_stop"() : () -> ()
        } else {
        }
        %and3A_210 = arith.constant true
        %and3A_211 = arith.andi %or3A_206, %and3A_210 : i1
        %add3A_212 = arith.constant 1 : i32
        %add3A_213 = arith.addi %scan3A_117, %add3A_212 : i32
        %select_n3A_214 = arith.select %and3A_211, %add3A_213, %scan3A_117 : i32
        %ne3A_215 = arith.cmpi ne, %add3A_124, %add3A_133 : i32
        %or3A_216 = arith.constant false
        %or3A_217 = arith.ori %or3A_216, %ne3A_215 : i1
        %not3A_218 = arith.constant true
        %not3A_219 = arith.xori %eq3A_121, %not3A_218 : i1
        %and3A_220 = arith.andi %or3A_217, %not3A_219 : i1
        %convert_element_type3A_221 = arith.extui %and3A_220 : i1 to i32
        %cond3A_222 = arith.constant 0 : i32
        %cond3A_223 = arith.cmpi ne, %convert_element_type3A_221, %cond3A_222 : i32
        scf.if %cond3A_223 {
        } else {
        }
        %and3A_224 = arith.constant false
        %and3A_225 = arith.andi %and3A_220, %and3A_224 : i1
        %ne3A_226 = arith.cmpi ne, %add3A_124, %add3A_133 : i32
        %or3A_227 = arith.constant false
        %or3A_228 = arith.ori %or3A_227, %ne3A_226 : i1
        %or3A_229 = arith.constant false
        %or3A_230 = arith.ori %or3A_228, %or3A_229 : i1
        %not3A_231 = arith.constant true
        %not3A_232 = arith.xori %eq3A_121, %not3A_231 : i1
        %and3A_233 = arith.andi %or3A_230, %not3A_232 : i1
        %convert_element_type3A_234 = arith.extui %and3A_233 : i1 to i32
        %cond3A_235 = arith.constant 0 : i32
        %cond3A_236 = arith.cmpi ne, %convert_element_type3A_234, %cond3A_235 : i32
        scf.if %cond3A_236 {
          "tpu.trace_start"() <{level = 10 : i32, message = "ep_wait_out"}> : () -> ()
          %rem3A_257 = arith.constant 2 : i32
          %rem3A_258 = arith.remui %scan3A_118, %rem3A_257 : i32
          %mul3A_259 = arith.constant 128 : i32
          %mul3A_260 = arith.muli %mul3A_259, %add3A_133 : i32
          %dma_wait3A_261 = arith.constant 0 : i32
          %dma_wait3A_262 = arith.constant 0 : i32
          %dma_wait3A_263 = tpu.memref_slice %run_scoped3A_2[%rem3A_258, %dma_wait3A_261, %dma_wait3A_262] : memref<2x128x128xf32, #tpu.memory_space<vmem>> -> memref<1x128x128xf32, #tpu.memory_space<vmem>>
          %dma_wait3A_264 = tpu.memref_squeeze %dma_wait3A_263 : memref<1x128x128xf32, #tpu.memory_space<vmem>> -> memref<128x128xf32, #tpu.memory_space<vmem>>
          %dma_wait3A_265 = arith.constant 0 : i32
          %dma_wait3A_266 = tpu.memref_slice %arg4[%mul3A_260, %dma_wait3A_265] : memref<4096x128xf32, #tpu.memory_space<hbm>> -> memref<128x128xf32, #tpu.memory_space<hbm>>
          %dma_wait3A_267 = tpu.memref_slice %run_scoped3A_3[%rem3A_258] : memref<2x!tpu.dma_semaphore, #tpu.memory_space<semaphore_mem>> -> memref<1x!tpu.dma_semaphore, #tpu.memory_space<semaphore_mem>>
          %dma_wait3A_268 = tpu.memref_squeeze %dma_wait3A_267 : memref<1x!tpu.dma_semaphore, #tpu.memory_space<semaphore_mem>> -> memref<!tpu.dma_semaphore, #tpu.memory_space<semaphore_mem>>
          %dma_wait3A_269 = arith.constant 0 : i32
          %dma_wait3A_270 = tpu.memref_slice %arg4[%mul3A_260, %dma_wait3A_269] : memref<4096x128xf32, #tpu.memory_space<hbm>> -> memref<128x128xf32, #tpu.memory_space<hbm>>
          %dma_wait3A_271 = arith.constant 0 : i32
          %dma_wait3A_272 = arith.constant 0 : i32
          %dma_wait3A_273 = tpu.memref_slice %run_scoped3A_2[%rem3A_258, %dma_wait3A_271, %dma_wait3A_272] : memref<2x128x128xf32, #tpu.memory_space<vmem>> -> memref<1x128x128xf32, #tpu.memory_space<vmem>>
          %dma_wait3A_274 = tpu.memref_squeeze %dma_wait3A_273 : memref<1x128x128xf32, #tpu.memory_space<vmem>> -> memref<128x128xf32, #tpu.memory_space<vmem>>
          tpu.wait_dma2 semaphore(%dma_wait3A_268 : memref<!tpu.dma_semaphore, #tpu.memory_space<semaphore_mem>>) src(%dma_wait3A_274 : memref<128x128xf32, #tpu.memory_space<vmem>>) dst(%dma_wait3A_270 : memref<128x128xf32, #tpu.memory_space<hbm>>)
          "tpu.trace_stop"() : () -> ()
        } else {
        }
        %and3A_237 = arith.constant true
        %and3A_238 = arith.andi %and3A_233, %and3A_237 : i1
        %add3A_239 = arith.constant 1 : i32
        %add3A_240 = arith.addi %scan3A_118, %add3A_239 : i32
        %select_n3A_241 = arith.select %and3A_238, %add3A_240, %scan3A_118 : i32
        %ne3A_242 = arith.cmpi ne, %add3A_124, %add3A_142 : i32
        %or3A_243 = arith.constant false
        %or3A_244 = arith.ori %or3A_243, %ne3A_242 : i1
        %or3A_245 = arith.ori %or3A_244, %eq3A_123 : i1
        %add3A_246 = arith.constant 1 : i32
        %add3A_247 = arith.addi %scan3A_116, %add3A_246 : i32
        %select_n3A_248 = arith.select %or3A_245, %add3A_247, %scan3A_116 : i32
        %add3A_249 = arith.constant 1 : i32
        %add3A_250 = arith.addi %scan3A_119, %add3A_249 : i32
        %select_n3A_251 = arith.constant true
        %select_n3A_252 = arith.select %select_n3A_251, %add3A_250, %scan3A_119 : i32
        %eq3A_253 = arith.constant 2 : i32
        %eq3A_254 = arith.cmpi eq, %select_n3A_252, %eq3A_253 : i32
        %select_n3A_255 = arith.constant 0 : i32
        %select_n3A_256 = arith.select %eq3A_254, %select_n3A_255, %select_n3A_252 : i32
        scf.yield %select_n3A_160, %select_n3A_248, %select_n3A_214, %select_n3A_241, %select_n3A_256 : i32, i32, i32, i32, i32
      }
      %scan3A_61 = arith.constant 2 : i32
      %sub3A = arith.constant 1 : i32
      %sub3A_62 = arith.subi %scan3A_60#4, %sub3A : i32
      %select_n3A_63 = arith.constant true
      %select_n3A_64 = arith.select %select_n3A_63, %sub3A_62, %scan3A_60#4 : i32
      %eq3A_65 = arith.constant -1 : i32
      %eq3A_66 = arith.cmpi eq, %select_n3A_64, %eq3A_65 : i32
      %select_n3A_67 = arith.constant 1 : i32
      %select_n3A_68 = arith.select %eq3A_66, %select_n3A_67, %select_n3A_64 : i32
      %add3A_69 = arith.addi %select_n3A_68, %mul3A_0 : i32
      %sub3A_70 = arith.constant 1 : i32
      %sub3A_71 = arith.subi %select_n3A_68, %sub3A_70 : i32
      %select_n3A_72 = arith.constant true
      %select_n3A_73 = arith.select %select_n3A_72, %sub3A_71, %select_n3A_68 : i32
      %eq3A_74 = arith.constant -1 : i32
      %eq3A_75 = arith.cmpi eq, %select_n3A_73, %eq3A_74 : i32
      %select_n3A_76 = arith.constant 1 : i32
      %select_n3A_77 = arith.select %eq3A_75, %select_n3A_76, %select_n3A_73 : i32
      %add3A_78 = arith.addi %select_n3A_77, %mul3A_0 : i32
      %add3A_79 = arith.constant 1 : i32
      %add3A_80 = arith.addi %select_n3A_68, %add3A_79 : i32
      %select_n3A_81 = arith.constant true
      %select_n3A_82 = arith.select %select_n3A_81, %add3A_80, %select_n3A_68 : i32
      %eq3A_83 = arith.constant 2 : i32
      %eq3A_84 = arith.cmpi eq, %select_n3A_82, %eq3A_83 : i32
      %select_n3A_85 = arith.constant 0 : i32
      %select_n3A_86 = arith.select %eq3A_84, %select_n3A_85, %select_n3A_82 : i32
      %add3A_87 = arith.addi %select_n3A_86, %mul3A_0 : i32
      %add3A_88 = arith.constant 1 : i32
      %add3A_89 = arith.addi %select_n3A_86, %add3A_88 : i32
      %select_n3A_90 = arith.constant true
      %select_n3A_91 = arith.select %select_n3A_90, %add3A_89, %select_n3A_86 : i32
      %eq3A_92 = arith.constant 2 : i32
      %eq3A_93 = arith.cmpi eq, %select_n3A_91, %eq3A_92 : i32
      %select_n3A_94 = arith.constant 0 : i32
      %select_n3A_95 = arith.select %eq3A_93, %select_n3A_94, %select_n3A_91 : i32
      %add3A_96 = arith.addi %select_n3A_95, %mul3A_0 : i32
      "tpu.trace_start"() <{level = 10 : i32, message = "ep_finalize"}> : () -> ()
      %rem3A_97 = arith.constant 2 : i32
      %rem3A_98 = arith.remui %scan3A_60#3, %rem3A_97 : i32
      %mul3A_99 = arith.constant 128 : i32
      %mul3A_100 = arith.muli %mul3A_99, %add3A_69 : i32
      %dma_wait3A = arith.constant 0 : i32
      %dma_wait3A_101 = arith.constant 0 : i32
      %dma_wait3A_102 = tpu.memref_slice %run_scoped3A_2[%rem3A_98, %dma_wait3A, %dma_wait3A_101] : memref<2x128x128xf32, #tpu.memory_space<vmem>> -> memref<1x128x128xf32, #tpu.memory_space<vmem>>
      %dma_wait3A_103 = tpu.memref_squeeze %dma_wait3A_102 : memref<1x128x128xf32, #tpu.memory_space<vmem>> -> memref<128x128xf32, #tpu.memory_space<vmem>>
      %dma_wait3A_104 = arith.constant 0 : i32
      %dma_wait3A_105 = tpu.memref_slice %arg4[%mul3A_100, %dma_wait3A_104] : memref<4096x128xf32, #tpu.memory_space<hbm>> -> memref<128x128xf32, #tpu.memory_space<hbm>>
      %dma_wait3A_106 = tpu.memref_slice %run_scoped3A_3[%rem3A_98] : memref<2x!tpu.dma_semaphore, #tpu.memory_space<semaphore_mem>> -> memref<1x!tpu.dma_semaphore, #tpu.memory_space<semaphore_mem>>
      %dma_wait3A_107 = tpu.memref_squeeze %dma_wait3A_106 : memref<1x!tpu.dma_semaphore, #tpu.memory_space<semaphore_mem>> -> memref<!tpu.dma_semaphore, #tpu.memory_space<semaphore_mem>>
      %dma_wait3A_108 = arith.constant 0 : i32
      %dma_wait3A_109 = tpu.memref_slice %arg4[%mul3A_100, %dma_wait3A_108] : memref<4096x128xf32, #tpu.memory_space<hbm>> -> memref<128x128xf32, #tpu.memory_space<hbm>>
      %dma_wait3A_110 = arith.constant 0 : i32
      %dma_wait3A_111 = arith.constant 0 : i32
      %dma_wait3A_112 = tpu.memref_slice %run_scoped3A_2[%rem3A_98, %dma_wait3A_110, %dma_wait3A_111] : memref<2x128x128xf32, #tpu.memory_space<vmem>> -> memref<1x128x128xf32, #tpu.memory_space<vmem>>
      %dma_wait3A_113 = tpu.memref_squeeze %dma_wait3A_112 : memref<1x128x128xf32, #tpu.memory_space<vmem>> -> memref<128x128xf32, #tpu.memory_space<vmem>>
      tpu.wait_dma2 semaphore(%dma_wait3A_107 : memref<!tpu.dma_semaphore, #tpu.memory_space<semaphore_mem>>) src(%dma_wait3A_113 : memref<128x128xf32, #tpu.memory_space<vmem>>) dst(%dma_wait3A_109 : memref<128x128xf32, #tpu.memory_space<hbm>>)
      "tpu.trace_stop"() : () -> ()
      tpu.yield
    }) : () -> ()
    return
  }
}

module attributes {stable_mosaic.version = 14 : i64} {
  func.func @_encoder_body(%arg0: i32, %arg1: memref<1x512x64xf32, #tpu.memory_space<vmem>>, %arg2: memref<512x64xf32, #tpu.memory_space<vmem>>, %arg3: memref<24x64x64xf32, #tpu.memory_space<vmem>>, %arg4: memref<4x64xf32, #tpu.memory_space<vmem>>, %arg5: memref<256x64xf32, #tpu.memory_space<vmem>>, %arg6: memref<1x64xf32, #tpu.memory_space<vmem>>, %arg7: memref<64x192xf32, #tpu.memory_space<vmem>>, %arg8: memref<1x192xf32, #tpu.memory_space<vmem>>, %arg9: memref<64x64xf32, #tpu.memory_space<vmem>>, %arg10: memref<1x64xf32, #tpu.memory_space<vmem>>, %arg11: memref<1x512x64xf32, #tpu.memory_space<vmem>>) attributes {dimension_semantics = [#tpu.dimension_semantics<parallel>], iteration_bounds = array<i64: 8>, scalar_prefetch = 0 : i64, scratch_operands = 0 : i64, tpu.core_type = #tpu.core_type<tc>, window_params = [{transform_indices = @transform_0, window_bounds = array<i64: 1, 512, 64>}, {pipeline_mode = #tpu.pipeline_mode<synchronous>, transform_indices = @transform_1, window_bounds = array<i64: 512, 64>}, {pipeline_mode = #tpu.pipeline_mode<synchronous>, transform_indices = @transform_2, window_bounds = array<i64: 24, 64, 64>}, {pipeline_mode = #tpu.pipeline_mode<synchronous>, transform_indices = @transform_3, window_bounds = array<i64: 4, 64>}, {pipeline_mode = #tpu.pipeline_mode<synchronous>, transform_indices = @transform_4, window_bounds = array<i64: 256, 64>}, {pipeline_mode = #tpu.pipeline_mode<synchronous>, transform_indices = @transform_5, window_bounds = array<i64: 1, 64>}, {pipeline_mode = #tpu.pipeline_mode<synchronous>, transform_indices = @transform_6, window_bounds = array<i64: 64, 192>}, {pipeline_mode = #tpu.pipeline_mode<synchronous>, transform_indices = @transform_7, window_bounds = array<i64: 1, 192>}, {pipeline_mode = #tpu.pipeline_mode<synchronous>, transform_indices = @transform_8, window_bounds = array<i64: 64, 64>}, {pipeline_mode = #tpu.pipeline_mode<synchronous>, transform_indices = @transform_9, window_bounds = array<i64: 1, 64>}, {transform_indices = @transform_10, window_bounds = array<i64: 1, 512, 64>}]} {
    %get3A = arith.constant 0 : index
    %get3A_0 = arith.constant 0 : index
    %get3A_1 = arith.constant 0 : index
    %get3A_2 = vector.load %arg1[%get3A, %get3A_0, %get3A_1] : memref<1x512x64xf32, #tpu.memory_space<vmem>>, vector<1x512x64xf32>
    %get3A_3 = vector.shape_cast %get3A_2 : vector<1x512x64xf32> to vector<512x64xf32>
    %get3A_4 = arith.constant 0 : index
    %get3A_5 = arith.constant 0 : index
    %get3A_6 = vector.load %arg2[%get3A_4, %get3A_5] : memref<512x64xf32, #tpu.memory_space<vmem>>, vector<512x64xf32>
    %add3A = arith.addf %get3A_3, %get3A_6 : vector<512x64xf32>
    %broadcast_in_dim3A = arith.constant 0.000000e+00 : f32
    %broadcast_in_dim3A_7 = vector.broadcast %broadcast_in_dim3A : f32 to vector<4x64xf32>
    %concatenate3A = tpu.concatenate %broadcast_in_dim3A_7, %add3A, %broadcast_in_dim3A_7 in 0 : vector<4x64xf32>, vector<512x64xf32>, vector<4x64xf32> -> vector<520x64xf32>
    %slice3A = vector.extract_strided_slice %concatenate3A {offsets = [3, 0], sizes = [512, 64], strides = [1, 1]} : vector<520x64xf32> to vector<512x64xf32>
    %slice3A_8 = vector.extract_strided_slice %concatenate3A {offsets = [4, 0], sizes = [512, 64], strides = [1, 1]} : vector<520x64xf32> to vector<512x64xf32>
    %slice3A_9 = vector.extract_strided_slice %concatenate3A {offsets = [5, 0], sizes = [512, 64], strides = [1, 1]} : vector<520x64xf32> to vector<512x64xf32>
    %concatenate3A_10 = tpu.concatenate %slice3A, %slice3A_8, %slice3A_9 in 1 : vector<512x64xf32>, vector<512x64xf32>, vector<512x64xf32> -> vector<512x192xf32>
    %get3A_11 = arith.constant 0 : index
    %get3A_12 = arith.constant 0 : index
    %get3A_13 = arith.constant 0 : index
    %get3A_14 = vector.load %arg3[%get3A_11, %get3A_12, %get3A_13] : memref<24x64x64xf32, #tpu.memory_space<vmem>>, vector<3x64x64xf32>
    %reshape3A = vector.shape_cast %get3A_14 : vector<3x64x64xf32> to vector<192x64xf32>
    %dot_general3A = arith.constant dense<0.000000e+00> : vector<512x64xf32>
    %dot_general3A_15 = tpu.matmul %concatenate3A_10, %reshape3A, %dot_general3A {dimension_numbers = #tpu.dot_dimension_numbers<[1], [0], [0], [1], [0, 0, 1, 1], [], []>, transpose_lhs_hint = false} : vector<512x192xf32>, vector<192x64xf32>, vector<512x64xf32> -> vector<512x64xf32>
    %get3A_16 = arith.constant 0 : index
    %get3A_17 = arith.constant 0 : index
    %get3A_18 = vector.load %arg4[%get3A_16, %get3A_17] : memref<4x64xf32, #tpu.memory_space<vmem>>, vector<1x64xf32>
    %get3A_19 = vector.shape_cast %get3A_18 : vector<1x64xf32> to vector<64xf32>
    %broadcast_in_dim3A_20 = vector.shape_cast %get3A_19 : vector<64xf32> to vector<1x64xf32>
    %add3A_21 = vector.broadcast %broadcast_in_dim3A_20 : vector<1x64xf32> to vector<512x64xf32>
    %add3A_22 = arith.addf %dot_general3A_15, %add3A_21 : vector<512x64xf32>
    %max3A = arith.constant 0.000000e+00 : f32
    %max3A_23 = vector.broadcast %max3A : f32 to vector<512x64xf32>
    %max3A_24 = arith.maximumf %add3A_22, %max3A_23 : vector<512x64xf32>
    %slice3A_25 = vector.extract_strided_slice %concatenate3A {offsets = [2, 0], sizes = [512, 64], strides = [1, 1]} : vector<520x64xf32> to vector<512x64xf32>
    %slice3A_26 = vector.extract_strided_slice %concatenate3A {offsets = [3, 0], sizes = [512, 64], strides = [1, 1]} : vector<520x64xf32> to vector<512x64xf32>
    %slice3A_27 = vector.extract_strided_slice %concatenate3A {offsets = [4, 0], sizes = [512, 64], strides = [1, 1]} : vector<520x64xf32> to vector<512x64xf32>
    %slice3A_28 = vector.extract_strided_slice %concatenate3A {offsets = [5, 0], sizes = [512, 64], strides = [1, 1]} : vector<520x64xf32> to vector<512x64xf32>
    %slice3A_29 = vector.extract_strided_slice %concatenate3A {offsets = [6, 0], sizes = [512, 64], strides = [1, 1]} : vector<520x64xf32> to vector<512x64xf32>
    %concatenate3A_30 = tpu.concatenate %slice3A_25, %slice3A_26, %slice3A_27, %slice3A_28, %slice3A_29 in 1 : vector<512x64xf32>, vector<512x64xf32>, vector<512x64xf32>, vector<512x64xf32>, vector<512x64xf32> -> vector<512x320xf32>
    %get3A_31 = arith.constant 3 : index
    %get3A_32 = arith.constant 0 : index
    %get3A_33 = arith.constant 0 : index
    %get3A_34 = vector.load %arg3[%get3A_31, %get3A_32, %get3A_33] : memref<24x64x64xf32, #tpu.memory_space<vmem>>, vector<5x64x64xf32>
    %reshape3A_35 = vector.shape_cast %get3A_34 : vector<5x64x64xf32> to vector<320x64xf32>
    %dot_general3A_36 = arith.constant dense<0.000000e+00> : vector<512x64xf32>
    %dot_general3A_37 = tpu.matmul %concatenate3A_30, %reshape3A_35, %dot_general3A_36 {dimension_numbers = #tpu.dot_dimension_numbers<[1], [0], [0], [1], [0, 0, 1, 1], [], []>, transpose_lhs_hint = false} : vector<512x320xf32>, vector<320x64xf32>, vector<512x64xf32> -> vector<512x64xf32>
    %get3A_38 = arith.constant 1 : index
    %get3A_39 = arith.constant 0 : index
    %get3A_40 = vector.load %arg4[%get3A_38, %get3A_39] : memref<4x64xf32, #tpu.memory_space<vmem>>, vector<1x64xf32>
    %get3A_41 = vector.shape_cast %get3A_40 : vector<1x64xf32> to vector<64xf32>
    %broadcast_in_dim3A_42 = vector.shape_cast %get3A_41 : vector<64xf32> to vector<1x64xf32>
    %add3A_43 = vector.broadcast %broadcast_in_dim3A_42 : vector<1x64xf32> to vector<512x64xf32>
    %add3A_44 = arith.addf %dot_general3A_37, %add3A_43 : vector<512x64xf32>
    %max3A_45 = arith.constant 0.000000e+00 : f32
    %max3A_46 = vector.broadcast %max3A_45 : f32 to vector<512x64xf32>
    %max3A_47 = arith.maximumf %add3A_44, %max3A_46 : vector<512x64xf32>
    %slice3A_48 = vector.extract_strided_slice %concatenate3A {offsets = [1, 0], sizes = [512, 64], strides = [1, 1]} : vector<520x64xf32> to vector<512x64xf32>
    %slice3A_49 = vector.extract_strided_slice %concatenate3A {offsets = [2, 0], sizes = [512, 64], strides = [1, 1]} : vector<520x64xf32> to vector<512x64xf32>
    %slice3A_50 = vector.extract_strided_slice %concatenate3A {offsets = [3, 0], sizes = [512, 64], strides = [1, 1]} : vector<520x64xf32> to vector<512x64xf32>
    %slice3A_51 = vector.extract_strided_slice %concatenate3A {offsets = [4, 0], sizes = [512, 64], strides = [1, 1]} : vector<520x64xf32> to vector<512x64xf32>
    %slice3A_52 = vector.extract_strided_slice %concatenate3A {offsets = [5, 0], sizes = [512, 64], strides = [1, 1]} : vector<520x64xf32> to vector<512x64xf32>
    %slice3A_53 = vector.extract_strided_slice %concatenate3A {offsets = [6, 0], sizes = [512, 64], strides = [1, 1]} : vector<520x64xf32> to vector<512x64xf32>
    %slice3A_54 = vector.extract_strided_slice %concatenate3A {offsets = [7, 0], sizes = [512, 64], strides = [1, 1]} : vector<520x64xf32> to vector<512x64xf32>
    %concatenate3A_55 = tpu.concatenate %slice3A_48, %slice3A_49, %slice3A_50, %slice3A_51, %slice3A_52, %slice3A_53, %slice3A_54 in 1 : vector<512x64xf32>, vector<512x64xf32>, vector<512x64xf32>, vector<512x64xf32>, vector<512x64xf32>, vector<512x64xf32>, vector<512x64xf32> -> vector<512x448xf32>
    %get3A_56 = arith.constant 8 : index
    %get3A_57 = arith.constant 0 : index
    %get3A_58 = arith.constant 0 : index
    %get3A_59 = vector.load %arg3[%get3A_56, %get3A_57, %get3A_58] : memref<24x64x64xf32, #tpu.memory_space<vmem>>, vector<7x64x64xf32>
    %reshape3A_60 = vector.shape_cast %get3A_59 : vector<7x64x64xf32> to vector<448x64xf32>
    %dot_general3A_61 = arith.constant dense<0.000000e+00> : vector<512x64xf32>
    %dot_general3A_62 = tpu.matmul %concatenate3A_55, %reshape3A_60, %dot_general3A_61 {dimension_numbers = #tpu.dot_dimension_numbers<[1], [0], [0], [1], [0, 0, 1, 1], [], []>, transpose_lhs_hint = false} : vector<512x448xf32>, vector<448x64xf32>, vector<512x64xf32> -> vector<512x64xf32>
    %get3A_63 = arith.constant 2 : index
    %get3A_64 = arith.constant 0 : index
    %get3A_65 = vector.load %arg4[%get3A_63, %get3A_64] : memref<4x64xf32, #tpu.memory_space<vmem>>, vector<1x64xf32>
    %get3A_66 = vector.shape_cast %get3A_65 : vector<1x64xf32> to vector<64xf32>
    %broadcast_in_dim3A_67 = vector.shape_cast %get3A_66 : vector<64xf32> to vector<1x64xf32>
    %add3A_68 = vector.broadcast %broadcast_in_dim3A_67 : vector<1x64xf32> to vector<512x64xf32>
    %add3A_69 = arith.addf %dot_general3A_62, %add3A_68 : vector<512x64xf32>
    %max3A_70 = arith.constant 0.000000e+00 : f32
    %max3A_71 = vector.broadcast %max3A_70 : f32 to vector<512x64xf32>
    %max3A_72 = arith.maximumf %add3A_69, %max3A_71 : vector<512x64xf32>
    %slice3A_73 = vector.extract_strided_slice %concatenate3A {offsets = [0, 0], sizes = [512, 64], strides = [1, 1]} : vector<520x64xf32> to vector<512x64xf32>
    %slice3A_74 = vector.extract_strided_slice %concatenate3A {offsets = [1, 0], sizes = [512, 64], strides = [1, 1]} : vector<520x64xf32> to vector<512x64xf32>
    %slice3A_75 = vector.extract_strided_slice %concatenate3A {offsets = [2, 0], sizes = [512, 64], strides = [1, 1]} : vector<520x64xf32> to vector<512x64xf32>
    %slice3A_76 = vector.extract_strided_slice %concatenate3A {offsets = [3, 0], sizes = [512, 64], strides = [1, 1]} : vector<520x64xf32> to vector<512x64xf32>
    %slice3A_77 = vector.extract_strided_slice %concatenate3A {offsets = [4, 0], sizes = [512, 64], strides = [1, 1]} : vector<520x64xf32> to vector<512x64xf32>
    %slice3A_78 = vector.extract_strided_slice %concatenate3A {offsets = [5, 0], sizes = [512, 64], strides = [1, 1]} : vector<520x64xf32> to vector<512x64xf32>
    %slice3A_79 = vector.extract_strided_slice %concatenate3A {offsets = [6, 0], sizes = [512, 64], strides = [1, 1]} : vector<520x64xf32> to vector<512x64xf32>
    %slice3A_80 = vector.extract_strided_slice %concatenate3A {offsets = [7, 0], sizes = [512, 64], strides = [1, 1]} : vector<520x64xf32> to vector<512x64xf32>
    %slice3A_81 = vector.extract_strided_slice %concatenate3A {offsets = [8, 0], sizes = [512, 64], strides = [1, 1]} : vector<520x64xf32> to vector<512x64xf32>
    %concatenate3A_82 = tpu.concatenate %slice3A_73, %slice3A_74, %slice3A_75, %slice3A_76, %slice3A_77, %slice3A_78, %slice3A_79, %slice3A_80, %slice3A_81 in 1 : vector<512x64xf32>, vector<512x64xf32>, vector<512x64xf32>, vector<512x64xf32>, vector<512x64xf32>, vector<512x64xf32>, vector<512x64xf32>, vector<512x64xf32>, vector<512x64xf32> -> vector<512x576xf32>
    %get3A_83 = arith.constant 15 : index
    %get3A_84 = arith.constant 0 : index
    %get3A_85 = arith.constant 0 : index
    %get3A_86 = vector.load %arg3[%get3A_83, %get3A_84, %get3A_85] : memref<24x64x64xf32, #tpu.memory_space<vmem>>, vector<9x64x64xf32>
    %reshape3A_87 = vector.shape_cast %get3A_86 : vector<9x64x64xf32> to vector<576x64xf32>
    %dot_general3A_88 = arith.constant dense<0.000000e+00> : vector<512x64xf32>
    %dot_general3A_89 = tpu.matmul %concatenate3A_82, %reshape3A_87, %dot_general3A_88 {dimension_numbers = #tpu.dot_dimension_numbers<[1], [0], [0], [1], [0, 0, 1, 1], [], []>, transpose_lhs_hint = false} : vector<512x576xf32>, vector<576x64xf32>, vector<512x64xf32> -> vector<512x64xf32>
    %get3A_90 = arith.constant 3 : index
    %get3A_91 = arith.constant 0 : index
    %get3A_92 = vector.load %arg4[%get3A_90, %get3A_91] : memref<4x64xf32, #tpu.memory_space<vmem>>, vector<1x64xf32>
    %get3A_93 = vector.shape_cast %get3A_92 : vector<1x64xf32> to vector<64xf32>
    %broadcast_in_dim3A_94 = vector.shape_cast %get3A_93 : vector<64xf32> to vector<1x64xf32>
    %add3A_95 = vector.broadcast %broadcast_in_dim3A_94 : vector<1x64xf32> to vector<512x64xf32>
    %add3A_96 = arith.addf %dot_general3A_89, %add3A_95 : vector<512x64xf32>
    %max3A_97 = arith.constant 0.000000e+00 : f32
    %max3A_98 = vector.broadcast %max3A_97 : f32 to vector<512x64xf32>
    %max3A_99 = arith.maximumf %add3A_96, %max3A_98 : vector<512x64xf32>
    %concatenate3A_100 = tpu.concatenate %max3A_24, %max3A_47, %max3A_72, %max3A_99 in 1 : vector<512x64xf32>, vector<512x64xf32>, vector<512x64xf32>, vector<512x64xf32> -> vector<512x256xf32>
    %get3A_101 = arith.constant 0 : index
    %get3A_102 = arith.constant 0 : index
    %get3A_103 = vector.load %arg5[%get3A_101, %get3A_102] : memref<256x64xf32, #tpu.memory_space<vmem>>, vector<256x64xf32>
    %dot_general3A_104 = arith.constant dense<0.000000e+00> : vector<512x64xf32>
    %dot_general3A_105 = tpu.matmul %concatenate3A_100, %get3A_103, %dot_general3A_104 {dimension_numbers = #tpu.dot_dimension_numbers<[1], [0], [0], [1], [0, 0, 1, 1], [], []>, transpose_lhs_hint = false} : vector<512x256xf32>, vector<256x64xf32>, vector<512x64xf32> -> vector<512x64xf32>
    %get3A_106 = arith.constant 0 : index
    %get3A_107 = arith.constant 0 : index
    %get3A_108 = vector.load %arg6[%get3A_106, %get3A_107] : memref<1x64xf32, #tpu.memory_space<vmem>>, vector<1x64xf32>
    %add3A_109 = vector.broadcast %get3A_108 : vector<1x64xf32> to vector<512x64xf32>
    %add3A_110 = arith.addf %dot_general3A_105, %add3A_109 : vector<512x64xf32>
    %get3A_111 = arith.constant 0 : index
    %get3A_112 = arith.constant 0 : index
    %get3A_113 = vector.load %arg7[%get3A_111, %get3A_112] : memref<64x192xf32, #tpu.memory_space<vmem>>, vector<64x192xf32>
    %dot_general3A_114 = arith.constant dense<0.000000e+00> : vector<512x192xf32>
    %dot_general3A_115 = tpu.matmul %add3A_110, %get3A_113, %dot_general3A_114 {dimension_numbers = #tpu.dot_dimension_numbers<[1], [0], [0], [1], [0, 0, 1, 1], [], []>, transpose_lhs_hint = false} : vector<512x64xf32>, vector<64x192xf32>, vector<512x192xf32> -> vector<512x192xf32>
    %get3A_116 = arith.constant 0 : index
    %get3A_117 = arith.constant 0 : index
    %get3A_118 = vector.load %arg8[%get3A_116, %get3A_117] : memref<1x192xf32, #tpu.memory_space<vmem>>, vector<1x192xf32>
    %add3A_119 = vector.broadcast %get3A_118 : vector<1x192xf32> to vector<512x192xf32>
    %add3A_120 = arith.addf %dot_general3A_115, %add3A_119 : vector<512x192xf32>
    %slice3A_121 = vector.extract_strided_slice %add3A_120 {offsets = [0, 0], sizes = [512, 64], strides = [1, 1]} : vector<512x192xf32> to vector<512x64xf32>
    %slice3A_122 = vector.extract_strided_slice %add3A_120 {offsets = [0, 64], sizes = [512, 64], strides = [1, 1]} : vector<512x192xf32> to vector<512x64xf32>
    %slice3A_123 = vector.extract_strided_slice %add3A_120 {offsets = [0, 128], sizes = [512, 64], strides = [1, 1]} : vector<512x192xf32> to vector<512x64xf32>
    %sqrt3A = arith.constant 8.000000e+00 : f32
    %sqrt3A_124 = math.sqrt %sqrt3A : f32
    %slice3A_125 = vector.extract_strided_slice %slice3A_121 {offsets = [0, 0], sizes = [512, 8], strides = [1, 1]} : vector<512x64xf32> to vector<512x8xf32>
    %slice3A_126 = vector.extract_strided_slice %slice3A_122 {offsets = [0, 0], sizes = [512, 8], strides = [1, 1]} : vector<512x64xf32> to vector<512x8xf32>
    %slice3A_127 = vector.extract_strided_slice %slice3A_123 {offsets = [0, 0], sizes = [512, 8], strides = [1, 1]} : vector<512x64xf32> to vector<512x8xf32>
    %dot_general3A_128 = arith.constant dense<0.000000e+00> : vector<512x512xf32>
    %dot_general3A_129 = tpu.matmul %slice3A_125, %slice3A_126, %dot_general3A_128 {dimension_numbers = #tpu.dot_dimension_numbers<[1], [1], [0], [0], [0, 0, 1, 0], [], []>, transpose_lhs_hint = false} : vector<512x8xf32>, vector<512x8xf32>, vector<512x512xf32> -> vector<512x512xf32>
    %div3A = vector.broadcast %sqrt3A_124 : f32 to vector<512x512xf32>
    %div3A_130 = arith.divf %dot_general3A_129, %div3A : vector<512x512xf32>
    %reduce_max3A = arith.constant dense<0xFF800000> : vector<512xf32>
    %reduce_max3A_131 = vector.multi_reduction <maximumf>, %div3A_130, %reduce_max3A [1] : vector<512x512xf32> to vector<512xf32>
    %broadcast_in_dim3A_132 = vector.shape_cast %reduce_max3A_131 : vector<512xf32> to vector<512x1xf32>
    %sub3A = vector.broadcast %broadcast_in_dim3A_132 : vector<512x1xf32> to vector<512x512xf32>
    %sub3A_133 = arith.subf %div3A_130, %sub3A : vector<512x512xf32>
    %exp3A = math.exp %sub3A_133 : vector<512x512xf32>
    %reduce_sum3A = arith.constant dense<0.000000e+00> : vector<512xf32>
    %reduce_sum3A_134 = vector.multi_reduction <add>, %exp3A, %reduce_sum3A [1] : vector<512x512xf32> to vector<512xf32>
    %broadcast_in_dim3A_135 = vector.shape_cast %reduce_sum3A_134 : vector<512xf32> to vector<512x1xf32>
    %dot_general3A_136 = arith.constant dense<0.000000e+00> : vector<512x8xf32>
    %dot_general3A_137 = tpu.matmul %exp3A, %slice3A_127, %dot_general3A_136 {dimension_numbers = #tpu.dot_dimension_numbers<[1], [0], [0], [1], [0, 0, 1, 1], [], []>, transpose_lhs_hint = false} : vector<512x512xf32>, vector<512x8xf32>, vector<512x8xf32> -> vector<512x8xf32>
    %div3A_138 = vector.broadcast %broadcast_in_dim3A_135 : vector<512x1xf32> to vector<512x8xf32>
    %div3A_139 = arith.divf %dot_general3A_137, %div3A_138 : vector<512x8xf32>
    %slice3A_140 = vector.extract_strided_slice %slice3A_121 {offsets = [0, 8], sizes = [512, 8], strides = [1, 1]} : vector<512x64xf32> to vector<512x8xf32>
    %slice3A_141 = vector.extract_strided_slice %slice3A_122 {offsets = [0, 8], sizes = [512, 8], strides = [1, 1]} : vector<512x64xf32> to vector<512x8xf32>
    %slice3A_142 = vector.extract_strided_slice %slice3A_123 {offsets = [0, 8], sizes = [512, 8], strides = [1, 1]} : vector<512x64xf32> to vector<512x8xf32>
    %dot_general3A_143 = arith.constant dense<0.000000e+00> : vector<512x512xf32>
    %dot_general3A_144 = tpu.matmul %slice3A_140, %slice3A_141, %dot_general3A_143 {dimension_numbers = #tpu.dot_dimension_numbers<[1], [1], [0], [0], [0, 0, 1, 0], [], []>, transpose_lhs_hint = false} : vector<512x8xf32>, vector<512x8xf32>, vector<512x512xf32> -> vector<512x512xf32>
    %div3A_145 = vector.broadcast %sqrt3A_124 : f32 to vector<512x512xf32>
    %div3A_146 = arith.divf %dot_general3A_144, %div3A_145 : vector<512x512xf32>
    %reduce_max3A_147 = arith.constant dense<0xFF800000> : vector<512xf32>
    %reduce_max3A_148 = vector.multi_reduction <maximumf>, %div3A_146, %reduce_max3A_147 [1] : vector<512x512xf32> to vector<512xf32>
    %broadcast_in_dim3A_149 = vector.shape_cast %reduce_max3A_148 : vector<512xf32> to vector<512x1xf32>
    %sub3A_150 = vector.broadcast %broadcast_in_dim3A_149 : vector<512x1xf32> to vector<512x512xf32>
    %sub3A_151 = arith.subf %div3A_146, %sub3A_150 : vector<512x512xf32>
    %exp3A_152 = math.exp %sub3A_151 : vector<512x512xf32>
    %reduce_sum3A_153 = arith.constant dense<0.000000e+00> : vector<512xf32>
    %reduce_sum3A_154 = vector.multi_reduction <add>, %exp3A_152, %reduce_sum3A_153 [1] : vector<512x512xf32> to vector<512xf32>
    %broadcast_in_dim3A_155 = vector.shape_cast %reduce_sum3A_154 : vector<512xf32> to vector<512x1xf32>
    %dot_general3A_156 = arith.constant dense<0.000000e+00> : vector<512x8xf32>
    %dot_general3A_157 = tpu.matmul %exp3A_152, %slice3A_142, %dot_general3A_156 {dimension_numbers = #tpu.dot_dimension_numbers<[1], [0], [0], [1], [0, 0, 1, 1], [], []>, transpose_lhs_hint = false} : vector<512x512xf32>, vector<512x8xf32>, vector<512x8xf32> -> vector<512x8xf32>
    %div3A_158 = vector.broadcast %broadcast_in_dim3A_155 : vector<512x1xf32> to vector<512x8xf32>
    %div3A_159 = arith.divf %dot_general3A_157, %div3A_158 : vector<512x8xf32>
    %slice3A_160 = vector.extract_strided_slice %slice3A_121 {offsets = [0, 16], sizes = [512, 8], strides = [1, 1]} : vector<512x64xf32> to vector<512x8xf32>
    %slice3A_161 = vector.extract_strided_slice %slice3A_122 {offsets = [0, 16], sizes = [512, 8], strides = [1, 1]} : vector<512x64xf32> to vector<512x8xf32>
    %slice3A_162 = vector.extract_strided_slice %slice3A_123 {offsets = [0, 16], sizes = [512, 8], strides = [1, 1]} : vector<512x64xf32> to vector<512x8xf32>
    %dot_general3A_163 = arith.constant dense<0.000000e+00> : vector<512x512xf32>
    %dot_general3A_164 = tpu.matmul %slice3A_160, %slice3A_161, %dot_general3A_163 {dimension_numbers = #tpu.dot_dimension_numbers<[1], [1], [0], [0], [0, 0, 1, 0], [], []>, transpose_lhs_hint = false} : vector<512x8xf32>, vector<512x8xf32>, vector<512x512xf32> -> vector<512x512xf32>
    %div3A_165 = vector.broadcast %sqrt3A_124 : f32 to vector<512x512xf32>
    %div3A_166 = arith.divf %dot_general3A_164, %div3A_165 : vector<512x512xf32>
    %reduce_max3A_167 = arith.constant dense<0xFF800000> : vector<512xf32>
    %reduce_max3A_168 = vector.multi_reduction <maximumf>, %div3A_166, %reduce_max3A_167 [1] : vector<512x512xf32> to vector<512xf32>
    %broadcast_in_dim3A_169 = vector.shape_cast %reduce_max3A_168 : vector<512xf32> to vector<512x1xf32>
    %sub3A_170 = vector.broadcast %broadcast_in_dim3A_169 : vector<512x1xf32> to vector<512x512xf32>
    %sub3A_171 = arith.subf %div3A_166, %sub3A_170 : vector<512x512xf32>
    %exp3A_172 = math.exp %sub3A_171 : vector<512x512xf32>
    %reduce_sum3A_173 = arith.constant dense<0.000000e+00> : vector<512xf32>
    %reduce_sum3A_174 = vector.multi_reduction <add>, %exp3A_172, %reduce_sum3A_173 [1] : vector<512x512xf32> to vector<512xf32>
    %broadcast_in_dim3A_175 = vector.shape_cast %reduce_sum3A_174 : vector<512xf32> to vector<512x1xf32>
    %dot_general3A_176 = arith.constant dense<0.000000e+00> : vector<512x8xf32>
    %dot_general3A_177 = tpu.matmul %exp3A_172, %slice3A_162, %dot_general3A_176 {dimension_numbers = #tpu.dot_dimension_numbers<[1], [0], [0], [1], [0, 0, 1, 1], [], []>, transpose_lhs_hint = false} : vector<512x512xf32>, vector<512x8xf32>, vector<512x8xf32> -> vector<512x8xf32>
    %div3A_178 = vector.broadcast %broadcast_in_dim3A_175 : vector<512x1xf32> to vector<512x8xf32>
    %div3A_179 = arith.divf %dot_general3A_177, %div3A_178 : vector<512x8xf32>
    %slice3A_180 = vector.extract_strided_slice %slice3A_121 {offsets = [0, 24], sizes = [512, 8], strides = [1, 1]} : vector<512x64xf32> to vector<512x8xf32>
    %slice3A_181 = vector.extract_strided_slice %slice3A_122 {offsets = [0, 24], sizes = [512, 8], strides = [1, 1]} : vector<512x64xf32> to vector<512x8xf32>
    %slice3A_182 = vector.extract_strided_slice %slice3A_123 {offsets = [0, 24], sizes = [512, 8], strides = [1, 1]} : vector<512x64xf32> to vector<512x8xf32>
    %dot_general3A_183 = arith.constant dense<0.000000e+00> : vector<512x512xf32>
    %dot_general3A_184 = tpu.matmul %slice3A_180, %slice3A_181, %dot_general3A_183 {dimension_numbers = #tpu.dot_dimension_numbers<[1], [1], [0], [0], [0, 0, 1, 0], [], []>, transpose_lhs_hint = false} : vector<512x8xf32>, vector<512x8xf32>, vector<512x512xf32> -> vector<512x512xf32>
    %div3A_185 = vector.broadcast %sqrt3A_124 : f32 to vector<512x512xf32>
    %div3A_186 = arith.divf %dot_general3A_184, %div3A_185 : vector<512x512xf32>
    %reduce_max3A_187 = arith.constant dense<0xFF800000> : vector<512xf32>
    %reduce_max3A_188 = vector.multi_reduction <maximumf>, %div3A_186, %reduce_max3A_187 [1] : vector<512x512xf32> to vector<512xf32>
    %broadcast_in_dim3A_189 = vector.shape_cast %reduce_max3A_188 : vector<512xf32> to vector<512x1xf32>
    %sub3A_190 = vector.broadcast %broadcast_in_dim3A_189 : vector<512x1xf32> to vector<512x512xf32>
    %sub3A_191 = arith.subf %div3A_186, %sub3A_190 : vector<512x512xf32>
    %exp3A_192 = math.exp %sub3A_191 : vector<512x512xf32>
    %reduce_sum3A_193 = arith.constant dense<0.000000e+00> : vector<512xf32>
    %reduce_sum3A_194 = vector.multi_reduction <add>, %exp3A_192, %reduce_sum3A_193 [1] : vector<512x512xf32> to vector<512xf32>
    %broadcast_in_dim3A_195 = vector.shape_cast %reduce_sum3A_194 : vector<512xf32> to vector<512x1xf32>
    %dot_general3A_196 = arith.constant dense<0.000000e+00> : vector<512x8xf32>
    %dot_general3A_197 = tpu.matmul %exp3A_192, %slice3A_182, %dot_general3A_196 {dimension_numbers = #tpu.dot_dimension_numbers<[1], [0], [0], [1], [0, 0, 1, 1], [], []>, transpose_lhs_hint = false} : vector<512x512xf32>, vector<512x8xf32>, vector<512x8xf32> -> vector<512x8xf32>
    %div3A_198 = vector.broadcast %broadcast_in_dim3A_195 : vector<512x1xf32> to vector<512x8xf32>
    %div3A_199 = arith.divf %dot_general3A_197, %div3A_198 : vector<512x8xf32>
    %slice3A_200 = vector.extract_strided_slice %slice3A_121 {offsets = [0, 32], sizes = [512, 8], strides = [1, 1]} : vector<512x64xf32> to vector<512x8xf32>
    %slice3A_201 = vector.extract_strided_slice %slice3A_122 {offsets = [0, 32], sizes = [512, 8], strides = [1, 1]} : vector<512x64xf32> to vector<512x8xf32>
    %slice3A_202 = vector.extract_strided_slice %slice3A_123 {offsets = [0, 32], sizes = [512, 8], strides = [1, 1]} : vector<512x64xf32> to vector<512x8xf32>
    %dot_general3A_203 = arith.constant dense<0.000000e+00> : vector<512x512xf32>
    %dot_general3A_204 = tpu.matmul %slice3A_200, %slice3A_201, %dot_general3A_203 {dimension_numbers = #tpu.dot_dimension_numbers<[1], [1], [0], [0], [0, 0, 1, 0], [], []>, transpose_lhs_hint = false} : vector<512x8xf32>, vector<512x8xf32>, vector<512x512xf32> -> vector<512x512xf32>
    %div3A_205 = vector.broadcast %sqrt3A_124 : f32 to vector<512x512xf32>
    %div3A_206 = arith.divf %dot_general3A_204, %div3A_205 : vector<512x512xf32>
    %reduce_max3A_207 = arith.constant dense<0xFF800000> : vector<512xf32>
    %reduce_max3A_208 = vector.multi_reduction <maximumf>, %div3A_206, %reduce_max3A_207 [1] : vector<512x512xf32> to vector<512xf32>
    %broadcast_in_dim3A_209 = vector.shape_cast %reduce_max3A_208 : vector<512xf32> to vector<512x1xf32>
    %sub3A_210 = vector.broadcast %broadcast_in_dim3A_209 : vector<512x1xf32> to vector<512x512xf32>
    %sub3A_211 = arith.subf %div3A_206, %sub3A_210 : vector<512x512xf32>
    %exp3A_212 = math.exp %sub3A_211 : vector<512x512xf32>
    %reduce_sum3A_213 = arith.constant dense<0.000000e+00> : vector<512xf32>
    %reduce_sum3A_214 = vector.multi_reduction <add>, %exp3A_212, %reduce_sum3A_213 [1] : vector<512x512xf32> to vector<512xf32>
    %broadcast_in_dim3A_215 = vector.shape_cast %reduce_sum3A_214 : vector<512xf32> to vector<512x1xf32>
    %dot_general3A_216 = arith.constant dense<0.000000e+00> : vector<512x8xf32>
    %dot_general3A_217 = tpu.matmul %exp3A_212, %slice3A_202, %dot_general3A_216 {dimension_numbers = #tpu.dot_dimension_numbers<[1], [0], [0], [1], [0, 0, 1, 1], [], []>, transpose_lhs_hint = false} : vector<512x512xf32>, vector<512x8xf32>, vector<512x8xf32> -> vector<512x8xf32>
    %div3A_218 = vector.broadcast %broadcast_in_dim3A_215 : vector<512x1xf32> to vector<512x8xf32>
    %div3A_219 = arith.divf %dot_general3A_217, %div3A_218 : vector<512x8xf32>
    %slice3A_220 = vector.extract_strided_slice %slice3A_121 {offsets = [0, 40], sizes = [512, 8], strides = [1, 1]} : vector<512x64xf32> to vector<512x8xf32>
    %slice3A_221 = vector.extract_strided_slice %slice3A_122 {offsets = [0, 40], sizes = [512, 8], strides = [1, 1]} : vector<512x64xf32> to vector<512x8xf32>
    %slice3A_222 = vector.extract_strided_slice %slice3A_123 {offsets = [0, 40], sizes = [512, 8], strides = [1, 1]} : vector<512x64xf32> to vector<512x8xf32>
    %dot_general3A_223 = arith.constant dense<0.000000e+00> : vector<512x512xf32>
    %dot_general3A_224 = tpu.matmul %slice3A_220, %slice3A_221, %dot_general3A_223 {dimension_numbers = #tpu.dot_dimension_numbers<[1], [1], [0], [0], [0, 0, 1, 0], [], []>, transpose_lhs_hint = false} : vector<512x8xf32>, vector<512x8xf32>, vector<512x512xf32> -> vector<512x512xf32>
    %div3A_225 = vector.broadcast %sqrt3A_124 : f32 to vector<512x512xf32>
    %div3A_226 = arith.divf %dot_general3A_224, %div3A_225 : vector<512x512xf32>
    %reduce_max3A_227 = arith.constant dense<0xFF800000> : vector<512xf32>
    %reduce_max3A_228 = vector.multi_reduction <maximumf>, %div3A_226, %reduce_max3A_227 [1] : vector<512x512xf32> to vector<512xf32>
    %broadcast_in_dim3A_229 = vector.shape_cast %reduce_max3A_228 : vector<512xf32> to vector<512x1xf32>
    %sub3A_230 = vector.broadcast %broadcast_in_dim3A_229 : vector<512x1xf32> to vector<512x512xf32>
    %sub3A_231 = arith.subf %div3A_226, %sub3A_230 : vector<512x512xf32>
    %exp3A_232 = math.exp %sub3A_231 : vector<512x512xf32>
    %reduce_sum3A_233 = arith.constant dense<0.000000e+00> : vector<512xf32>
    %reduce_sum3A_234 = vector.multi_reduction <add>, %exp3A_232, %reduce_sum3A_233 [1] : vector<512x512xf32> to vector<512xf32>
    %broadcast_in_dim3A_235 = vector.shape_cast %reduce_sum3A_234 : vector<512xf32> to vector<512x1xf32>
    %dot_general3A_236 = arith.constant dense<0.000000e+00> : vector<512x8xf32>
    %dot_general3A_237 = tpu.matmul %exp3A_232, %slice3A_222, %dot_general3A_236 {dimension_numbers = #tpu.dot_dimension_numbers<[1], [0], [0], [1], [0, 0, 1, 1], [], []>, transpose_lhs_hint = false} : vector<512x512xf32>, vector<512x8xf32>, vector<512x8xf32> -> vector<512x8xf32>
    %div3A_238 = vector.broadcast %broadcast_in_dim3A_235 : vector<512x1xf32> to vector<512x8xf32>
    %div3A_239 = arith.divf %dot_general3A_237, %div3A_238 : vector<512x8xf32>
    %slice3A_240 = vector.extract_strided_slice %slice3A_121 {offsets = [0, 48], sizes = [512, 8], strides = [1, 1]} : vector<512x64xf32> to vector<512x8xf32>
    %slice3A_241 = vector.extract_strided_slice %slice3A_122 {offsets = [0, 48], sizes = [512, 8], strides = [1, 1]} : vector<512x64xf32> to vector<512x8xf32>
    %slice3A_242 = vector.extract_strided_slice %slice3A_123 {offsets = [0, 48], sizes = [512, 8], strides = [1, 1]} : vector<512x64xf32> to vector<512x8xf32>
    %dot_general3A_243 = arith.constant dense<0.000000e+00> : vector<512x512xf32>
    %dot_general3A_244 = tpu.matmul %slice3A_240, %slice3A_241, %dot_general3A_243 {dimension_numbers = #tpu.dot_dimension_numbers<[1], [1], [0], [0], [0, 0, 1, 0], [], []>, transpose_lhs_hint = false} : vector<512x8xf32>, vector<512x8xf32>, vector<512x512xf32> -> vector<512x512xf32>
    %div3A_245 = vector.broadcast %sqrt3A_124 : f32 to vector<512x512xf32>
    %div3A_246 = arith.divf %dot_general3A_244, %div3A_245 : vector<512x512xf32>
    %reduce_max3A_247 = arith.constant dense<0xFF800000> : vector<512xf32>
    %reduce_max3A_248 = vector.multi_reduction <maximumf>, %div3A_246, %reduce_max3A_247 [1] : vector<512x512xf32> to vector<512xf32>
    %broadcast_in_dim3A_249 = vector.shape_cast %reduce_max3A_248 : vector<512xf32> to vector<512x1xf32>
    %sub3A_250 = vector.broadcast %broadcast_in_dim3A_249 : vector<512x1xf32> to vector<512x512xf32>
    %sub3A_251 = arith.subf %div3A_246, %sub3A_250 : vector<512x512xf32>
    %exp3A_252 = math.exp %sub3A_251 : vector<512x512xf32>
    %reduce_sum3A_253 = arith.constant dense<0.000000e+00> : vector<512xf32>
    %reduce_sum3A_254 = vector.multi_reduction <add>, %exp3A_252, %reduce_sum3A_253 [1] : vector<512x512xf32> to vector<512xf32>
    %broadcast_in_dim3A_255 = vector.shape_cast %reduce_sum3A_254 : vector<512xf32> to vector<512x1xf32>
    %dot_general3A_256 = arith.constant dense<0.000000e+00> : vector<512x8xf32>
    %dot_general3A_257 = tpu.matmul %exp3A_252, %slice3A_242, %dot_general3A_256 {dimension_numbers = #tpu.dot_dimension_numbers<[1], [0], [0], [1], [0, 0, 1, 1], [], []>, transpose_lhs_hint = false} : vector<512x512xf32>, vector<512x8xf32>, vector<512x8xf32> -> vector<512x8xf32>
    %div3A_258 = vector.broadcast %broadcast_in_dim3A_255 : vector<512x1xf32> to vector<512x8xf32>
    %div3A_259 = arith.divf %dot_general3A_257, %div3A_258 : vector<512x8xf32>
    %slice3A_260 = vector.extract_strided_slice %slice3A_121 {offsets = [0, 56], sizes = [512, 8], strides = [1, 1]} : vector<512x64xf32> to vector<512x8xf32>
    %slice3A_261 = vector.extract_strided_slice %slice3A_122 {offsets = [0, 56], sizes = [512, 8], strides = [1, 1]} : vector<512x64xf32> to vector<512x8xf32>
    %slice3A_262 = vector.extract_strided_slice %slice3A_123 {offsets = [0, 56], sizes = [512, 8], strides = [1, 1]} : vector<512x64xf32> to vector<512x8xf32>
    %dot_general3A_263 = arith.constant dense<0.000000e+00> : vector<512x512xf32>
    %dot_general3A_264 = tpu.matmul %slice3A_260, %slice3A_261, %dot_general3A_263 {dimension_numbers = #tpu.dot_dimension_numbers<[1], [1], [0], [0], [0, 0, 1, 0], [], []>, transpose_lhs_hint = false} : vector<512x8xf32>, vector<512x8xf32>, vector<512x512xf32> -> vector<512x512xf32>
    %div3A_265 = vector.broadcast %sqrt3A_124 : f32 to vector<512x512xf32>
    %div3A_266 = arith.divf %dot_general3A_264, %div3A_265 : vector<512x512xf32>
    %reduce_max3A_267 = arith.constant dense<0xFF800000> : vector<512xf32>
    %reduce_max3A_268 = vector.multi_reduction <maximumf>, %div3A_266, %reduce_max3A_267 [1] : vector<512x512xf32> to vector<512xf32>
    %broadcast_in_dim3A_269 = vector.shape_cast %reduce_max3A_268 : vector<512xf32> to vector<512x1xf32>
    %sub3A_270 = vector.broadcast %broadcast_in_dim3A_269 : vector<512x1xf32> to vector<512x512xf32>
    %sub3A_271 = arith.subf %div3A_266, %sub3A_270 : vector<512x512xf32>
    %exp3A_272 = math.exp %sub3A_271 : vector<512x512xf32>
    %reduce_sum3A_273 = arith.constant dense<0.000000e+00> : vector<512xf32>
    %reduce_sum3A_274 = vector.multi_reduction <add>, %exp3A_272, %reduce_sum3A_273 [1] : vector<512x512xf32> to vector<512xf32>
    %broadcast_in_dim3A_275 = vector.shape_cast %reduce_sum3A_274 : vector<512xf32> to vector<512x1xf32>
    %dot_general3A_276 = arith.constant dense<0.000000e+00> : vector<512x8xf32>
    %dot_general3A_277 = tpu.matmul %exp3A_272, %slice3A_262, %dot_general3A_276 {dimension_numbers = #tpu.dot_dimension_numbers<[1], [0], [0], [1], [0, 0, 1, 1], [], []>, transpose_lhs_hint = false} : vector<512x512xf32>, vector<512x8xf32>, vector<512x8xf32> -> vector<512x8xf32>
    %div3A_278 = vector.broadcast %broadcast_in_dim3A_275 : vector<512x1xf32> to vector<512x8xf32>
    %div3A_279 = arith.divf %dot_general3A_277, %div3A_278 : vector<512x8xf32>
    %concatenate3A_280 = tpu.concatenate %div3A_139, %div3A_159, %div3A_179, %div3A_199, %div3A_219, %div3A_239, %div3A_259, %div3A_279 in 1 : vector<512x8xf32>, vector<512x8xf32>, vector<512x8xf32>, vector<512x8xf32>, vector<512x8xf32>, vector<512x8xf32>, vector<512x8xf32>, vector<512x8xf32> -> vector<512x64xf32>
    %get3A_281 = arith.constant 0 : index
    %get3A_282 = arith.constant 0 : index
    %get3A_283 = vector.load %arg9[%get3A_281, %get3A_282] : memref<64x64xf32, #tpu.memory_space<vmem>>, vector<64x64xf32>
    %dot_general3A_284 = arith.constant dense<0.000000e+00> : vector<512x64xf32>
    %dot_general3A_285 = tpu.matmul %concatenate3A_280, %get3A_283, %dot_general3A_284 {dimension_numbers = #tpu.dot_dimension_numbers<[1], [0], [0], [1], [0, 0, 1, 1], [], []>, transpose_lhs_hint = false} : vector<512x64xf32>, vector<64x64xf32>, vector<512x64xf32> -> vector<512x64xf32>
    %get3A_286 = arith.constant 0 : index
    %get3A_287 = arith.constant 0 : index
    %get3A_288 = vector.load %arg10[%get3A_286, %get3A_287] : memref<1x64xf32, #tpu.memory_space<vmem>>, vector<1x64xf32>
    %add3A_289 = vector.broadcast %get3A_288 : vector<1x64xf32> to vector<512x64xf32>
    %add3A_290 = arith.addf %dot_general3A_285, %add3A_289 : vector<512x64xf32>
    %add3A_291 = arith.addf %add3A_110, %add3A_290 : vector<512x64xf32>
    %swap3A = arith.constant 0 : index
    %swap3A_292 = arith.constant 0 : index
    %swap3A_293 = arith.constant 0 : index
    %swap3A_294 = vector.load %arg11[%swap3A, %swap3A_292, %swap3A_293] : memref<1x512x64xf32, #tpu.memory_space<vmem>>, vector<1x512x64xf32>
    %swap3A_295 = vector.shape_cast %swap3A_294 : vector<1x512x64xf32> to vector<512x64xf32>
    %swap3A_296 = vector.shape_cast %add3A_291 : vector<512x64xf32> to vector<1x512x64xf32>
    tpu.vector_store %arg11[%swap3A, %swap3A_292, %swap3A_293], %swap3A_296 {strides = array<i32>} : memref<1x512x64xf32, #tpu.memory_space<vmem>>, vector<1x512x64xf32>,
    return
  }
  func.func @transform_0(%arg0: i32) -> (i32, i32, i32) {
    %c0_i32 = arith.constant 0 : i32
    %c0_i32_0 = arith.constant 0 : i32
    %c0_i32_1 = arith.constant 0 : i32
    return %arg0, %c0_i32, %c0_i32_0 : i32, i32, i32
  }
  func.func @transform_1(%arg0: i32) -> (i32, i32) {
    %c0_i32 = arith.constant 0 : i32
    %c0_i32_0 = arith.constant 0 : i32
    %c0_i32_1 = arith.constant 0 : i32
    return %c0_i32, %c0_i32_0 : i32, i32
  }
  func.func @transform_2(%arg0: i32) -> (i32, i32, i32) {
    %c0_i32 = arith.constant 0 : i32
    %c0_i32_0 = arith.constant 0 : i32
    %c0_i32_1 = arith.constant 0 : i32
    %c0_i32_2 = arith.constant 0 : i32
    return %c0_i32, %c0_i32_0, %c0_i32_1 : i32, i32, i32
  }
  func.func @transform_3(%arg0: i32) -> (i32, i32) {
    %c0_i32 = arith.constant 0 : i32
    %c0_i32_0 = arith.constant 0 : i32
    %c0_i32_1 = arith.constant 0 : i32
    return %c0_i32, %c0_i32_0 : i32, i32
  }
  func.func @transform_4(%arg0: i32) -> (i32, i32) {
    %c0_i32 = arith.constant 0 : i32
    %c0_i32_0 = arith.constant 0 : i32
    %c0_i32_1 = arith.constant 0 : i32
    return %c0_i32, %c0_i32_0 : i32, i32
  }
  func.func @transform_5(%arg0: i32) -> (i32, i32) {
    %c0_i32 = arith.constant 0 : i32
    %c0_i32_0 = arith.constant 0 : i32
    %c0_i32_1 = arith.constant 0 : i32
    return %c0_i32, %c0_i32_0 : i32, i32
  }
  func.func @transform_6(%arg0: i32) -> (i32, i32) {
    %c0_i32 = arith.constant 0 : i32
    %c0_i32_0 = arith.constant 0 : i32
    %c0_i32_1 = arith.constant 0 : i32
    return %c0_i32, %c0_i32_0 : i32, i32
  }
  func.func @transform_7(%arg0: i32) -> (i32, i32) {
    %c0_i32 = arith.constant 0 : i32
    %c0_i32_0 = arith.constant 0 : i32
    %c0_i32_1 = arith.constant 0 : i32
    return %c0_i32, %c0_i32_0 : i32, i32
  }
  func.func @transform_8(%arg0: i32) -> (i32, i32) {
    %c0_i32 = arith.constant 0 : i32
    %c0_i32_0 = arith.constant 0 : i32
    %c0_i32_1 = arith.constant 0 : i32
    return %c0_i32, %c0_i32_0 : i32, i32
  }
  func.func @transform_9(%arg0: i32) -> (i32, i32) {
    %c0_i32 = arith.constant 0 : i32
    %c0_i32_0 = arith.constant 0 : i32
    %c0_i32_1 = arith.constant 0 : i32
    return %c0_i32, %c0_i32_0 : i32, i32
  }
  func.func @transform_10(%arg0: i32) -> (i32, i32, i32) {
    %c0_i32 = arith.constant 0 : i32
    %c0_i32_0 = arith.constant 0 : i32
    %c0_i32_1 = arith.constant 0 : i32
    return %arg0, %c0_i32, %c0_i32_0 : i32, i32, i32
  }
}

module attributes {stable_mosaic.version = 14 : i64} {
  func.func @_vq_body(%arg0: i32, %arg1: memref<1x512x64xf32, #tpu.memory_space<vmem>>, %arg2: memref<1x512x1xf32, #tpu.memory_space<vmem>>, %arg3: memref<8192x64xf32, #tpu.memory_space<vmem>>, %arg4: memref<1x1x512xi32, #tpu.memory_space<vmem>>) attributes {dimension_semantics = [#tpu.dimension_semantics<parallel>], iteration_bounds = array<i64: 8>, scalar_prefetch = 0 : i64, scratch_operands = 0 : i64, tpu.core_type = #tpu.core_type<tc>, window_params = [{transform_indices = @transform_0, window_bounds = array<i64: 1, 512, 64>}, {transform_indices = @transform_1, window_bounds = array<i64: 1, 512, 1>}, {pipeline_mode = #tpu.pipeline_mode<synchronous>, transform_indices = @transform_2, window_bounds = array<i64: 8192, 64>}, {transform_indices = @transform_3, window_bounds = array<i64: 1, 1, 512>}]} {
    %get3A = arith.constant 0 : index
    %get3A_0 = arith.constant 0 : index
    %get3A_1 = arith.constant 0 : index
    %get3A_2 = vector.load %arg1[%get3A, %get3A_0, %get3A_1] : memref<1x512x64xf32, #tpu.memory_space<vmem>>, vector<1x512x64xf32>
    %get3A_3 = vector.shape_cast %get3A_2 : vector<1x512x64xf32> to vector<512x64xf32>
    %get3A_4 = arith.constant 0 : index
    %get3A_5 = arith.constant 0 : index
    %get3A_6 = arith.constant 0 : index
    %get3A_7 = vector.load %arg2[%get3A_4, %get3A_5, %get3A_6] : memref<1x512x1xf32, #tpu.memory_space<vmem>>, vector<1x512x1xf32>
    %get3A_8 = vector.shape_cast %get3A_7 : vector<1x512x1xf32> to vector<512x1xf32>
    %broadcast_in_dim3A = arith.constant 0x7F800000 : f32
    %broadcast_in_dim3A_9 = vector.broadcast %broadcast_in_dim3A : f32 to vector<512xf32>
    %broadcast_in_dim3A_10 = arith.constant 0 : i32
    %broadcast_in_dim3A_11 = vector.broadcast %broadcast_in_dim3A_10 : i32 to vector<512xi32>
    %get3A_12 = arith.constant 0 : index
    %get3A_13 = arith.constant 0 : index
    %get3A_14 = vector.load %arg3[%get3A_12, %get3A_13] : memref<8192x64xf32, #tpu.memory_space<vmem>>, vector<2048x64xf32>
    %integer_pow3A = arith.mulf %get3A_14, %get3A_14 : vector<2048x64xf32>
    %reduce_sum3A = arith.constant dense<0.000000e+00> : vector<2048xf32>
    %reduce_sum3A_15 = vector.multi_reduction <add>, %integer_pow3A, %reduce_sum3A [1] : vector<2048x64xf32> to vector<2048xf32>
    %dot_general3A = arith.constant dense<0.000000e+00> : vector<512x2048xf32>
    %dot_general3A_16 = tpu.matmul %get3A_3, %get3A_14, %dot_general3A {dimension_numbers = #tpu.dot_dimension_numbers<[1], [1], [0], [0], [0, 0, 1, 0], [], []>, transpose_lhs_hint = false} : vector<512x64xf32>, vector<2048x64xf32>, vector<512x2048xf32> -> vector<512x2048xf32>
    %broadcast_in_dim3A_17 = vector.shape_cast %reduce_sum3A_15 : vector<2048xf32> to vector<1x2048xf32>
    %add3A = vector.broadcast %get3A_8 : vector<512x1xf32> to vector<512x2048xf32>
    %add3A_18 = vector.broadcast %broadcast_in_dim3A_17 : vector<1x2048xf32> to vector<512x2048xf32>
    %add3A_19 = arith.addf %add3A, %add3A_18 : vector<512x2048xf32>
    %mul3A = arith.constant 2.000000e+00 : f32
    %mul3A_20 = vector.broadcast %mul3A : f32 to vector<512x2048xf32>
    %mul3A_21 = arith.mulf %mul3A_20, %dot_general3A_16 : vector<512x2048xf32>
    %sub3A = arith.subf %add3A_19, %mul3A_21 : vector<512x2048xf32>
    %reduce_min3A = arith.constant dense<0x7F800000> : vector<512xf32>
    %reduce_min3A_22 = vector.multi_reduction <minimumf>, %sub3A, %reduce_min3A [1] : vector<512x2048xf32> to vector<512xf32>
    %iota3A = tpu.iota {dimensions = array<i32: 1>} : vector<512x2048xi32>
    %broadcast_in_dim3A_23 = vector.shape_cast %reduce_min3A_22 : vector<512xf32> to vector<512x1xf32>
    %eq3A = vector.broadcast %broadcast_in_dim3A_23 : vector<512x1xf32> to vector<512x2048xf32>
    %eq3A_24 = arith.cmpf oeq, %sub3A, %eq3A : vector<512x2048xf32>
    %jit3A = arith.constant 8192 : i32
    %broadcast_in_dim3A_25 = vector.broadcast %jit3A : i32 to vector<512x2048xi32>
    %select_n3A = arith.select %eq3A_24, %iota3A, %broadcast_in_dim3A_25 : vector<512x2048xi1>, vector<512x2048xi32>
    %reduce_min3A_26 = arith.constant dense<2147483647> : vector<512xi32>
    %reduce_min3A_27 = vector.multi_reduction <minsi>, %select_n3A, %reduce_min3A_26 [1] : vector<512x2048xi32> to vector<512xi32>
    %add3A_28 = arith.constant 0 : i32
    %add3A_29 = vector.broadcast %add3A_28 : i32 to vector<512xi32>
    %add3A_30 = arith.addi %reduce_min3A_27, %add3A_29 : vector<512xi32>
    %lt3A = arith.cmpf olt, %reduce_min3A_22, %broadcast_in_dim3A_9 : vector<512xf32>
    %select_n3A_31 = arith.select %lt3A, %reduce_min3A_22, %broadcast_in_dim3A_9 : vector<512xi1>, vector<512xf32>
    %select_n3A_32 = arith.select %lt3A, %add3A_30, %broadcast_in_dim3A_11 : vector<512xi1>, vector<512xi32>
    %get3A_33 = arith.constant 2048 : index
    %get3A_34 = arith.constant 0 : index
    %get3A_35 = vector.load %arg3[%get3A_33, %get3A_34] : memref<8192x64xf32, #tpu.memory_space<vmem>>, vector<2048x64xf32>
    %integer_pow3A_36 = arith.mulf %get3A_35, %get3A_35 : vector<2048x64xf32>
    %reduce_sum3A_37 = arith.constant dense<0.000000e+00> : vector<2048xf32>
    %reduce_sum3A_38 = vector.multi_reduction <add>, %integer_pow3A_36, %reduce_sum3A_37 [1] : vector<2048x64xf32> to vector<2048xf32>
    %dot_general3A_39 = arith.constant dense<0.000000e+00> : vector<512x2048xf32>
    %dot_general3A_40 = tpu.matmul %get3A_3, %get3A_35, %dot_general3A_39 {dimension_numbers = #tpu.dot_dimension_numbers<[1], [1], [0], [0], [0, 0, 1, 0], [], []>, transpose_lhs_hint = false} : vector<512x64xf32>, vector<2048x64xf32>, vector<512x2048xf32> -> vector<512x2048xf32>
    %broadcast_in_dim3A_41 = vector.shape_cast %reduce_sum3A_38 : vector<2048xf32> to vector<1x2048xf32>
    %add3A_42 = vector.broadcast %get3A_8 : vector<512x1xf32> to vector<512x2048xf32>
    %add3A_43 = vector.broadcast %broadcast_in_dim3A_41 : vector<1x2048xf32> to vector<512x2048xf32>
    %add3A_44 = arith.addf %add3A_42, %add3A_43 : vector<512x2048xf32>
    %mul3A_45 = arith.constant 2.000000e+00 : f32
    %mul3A_46 = vector.broadcast %mul3A_45 : f32 to vector<512x2048xf32>
    %mul3A_47 = arith.mulf %mul3A_46, %dot_general3A_40 : vector<512x2048xf32>
    %sub3A_48 = arith.subf %add3A_44, %mul3A_47 : vector<512x2048xf32>
    %reduce_min3A_49 = arith.constant dense<0x7F800000> : vector<512xf32>
    %reduce_min3A_50 = vector.multi_reduction <minimumf>, %sub3A_48, %reduce_min3A_49 [1] : vector<512x2048xf32> to vector<512xf32>
    %iota3A_51 = tpu.iota {dimensions = array<i32: 1>} : vector<512x2048xi32>
    %broadcast_in_dim3A_52 = vector.shape_cast %reduce_min3A_50 : vector<512xf32> to vector<512x1xf32>
    %eq3A_53 = vector.broadcast %broadcast_in_dim3A_52 : vector<512x1xf32> to vector<512x2048xf32>
    %eq3A_54 = arith.cmpf oeq, %sub3A_48, %eq3A_53 : vector<512x2048xf32>
    %jit3A_55 = arith.constant 8192 : i32
    %broadcast_in_dim3A_56 = vector.broadcast %jit3A_55 : i32 to vector<512x2048xi32>
    %select_n3A_57 = arith.select %eq3A_54, %iota3A_51, %broadcast_in_dim3A_56 : vector<512x2048xi1>, vector<512x2048xi32>
    %reduce_min3A_58 = arith.constant dense<2147483647> : vector<512xi32>
    %reduce_min3A_59 = vector.multi_reduction <minsi>, %select_n3A_57, %reduce_min3A_58 [1] : vector<512x2048xi32> to vector<512xi32>
    %add3A_60 = arith.constant 2048 : i32
    %add3A_61 = vector.broadcast %add3A_60 : i32 to vector<512xi32>
    %add3A_62 = arith.addi %reduce_min3A_59, %add3A_61 : vector<512xi32>
    %lt3A_63 = arith.cmpf olt, %reduce_min3A_50, %select_n3A_31 : vector<512xf32>
    %select_n3A_64 = arith.select %lt3A_63, %reduce_min3A_50, %select_n3A_31 : vector<512xi1>, vector<512xf32>
    %select_n3A_65 = arith.select %lt3A_63, %add3A_62, %select_n3A_32 : vector<512xi1>, vector<512xi32>
    %get3A_66 = arith.constant 4096 : index
    %get3A_67 = arith.constant 0 : index
    %get3A_68 = vector.load %arg3[%get3A_66, %get3A_67] : memref<8192x64xf32, #tpu.memory_space<vmem>>, vector<2048x64xf32>
    %integer_pow3A_69 = arith.mulf %get3A_68, %get3A_68 : vector<2048x64xf32>
    %reduce_sum3A_70 = arith.constant dense<0.000000e+00> : vector<2048xf32>
    %reduce_sum3A_71 = vector.multi_reduction <add>, %integer_pow3A_69, %reduce_sum3A_70 [1] : vector<2048x64xf32> to vector<2048xf32>
    %dot_general3A_72 = arith.constant dense<0.000000e+00> : vector<512x2048xf32>
    %dot_general3A_73 = tpu.matmul %get3A_3, %get3A_68, %dot_general3A_72 {dimension_numbers = #tpu.dot_dimension_numbers<[1], [1], [0], [0], [0, 0, 1, 0], [], []>, transpose_lhs_hint = false} : vector<512x64xf32>, vector<2048x64xf32>, vector<512x2048xf32> -> vector<512x2048xf32>
    %broadcast_in_dim3A_74 = vector.shape_cast %reduce_sum3A_71 : vector<2048xf32> to vector<1x2048xf32>
    %add3A_75 = vector.broadcast %get3A_8 : vector<512x1xf32> to vector<512x2048xf32>
    %add3A_76 = vector.broadcast %broadcast_in_dim3A_74 : vector<1x2048xf32> to vector<512x2048xf32>
    %add3A_77 = arith.addf %add3A_75, %add3A_76 : vector<512x2048xf32>
    %mul3A_78 = arith.constant 2.000000e+00 : f32
    %mul3A_79 = vector.broadcast %mul3A_78 : f32 to vector<512x2048xf32>
    %mul3A_80 = arith.mulf %mul3A_79, %dot_general3A_73 : vector<512x2048xf32>
    %sub3A_81 = arith.subf %add3A_77, %mul3A_80 : vector<512x2048xf32>
    %reduce_min3A_82 = arith.constant dense<0x7F800000> : vector<512xf32>
    %reduce_min3A_83 = vector.multi_reduction <minimumf>, %sub3A_81, %reduce_min3A_82 [1] : vector<512x2048xf32> to vector<512xf32>
    %iota3A_84 = tpu.iota {dimensions = array<i32: 1>} : vector<512x2048xi32>
    %broadcast_in_dim3A_85 = vector.shape_cast %reduce_min3A_83 : vector<512xf32> to vector<512x1xf32>
    %eq3A_86 = vector.broadcast %broadcast_in_dim3A_85 : vector<512x1xf32> to vector<512x2048xf32>
    %eq3A_87 = arith.cmpf oeq, %sub3A_81, %eq3A_86 : vector<512x2048xf32>
    %jit3A_88 = arith.constant 8192 : i32
    %broadcast_in_dim3A_89 = vector.broadcast %jit3A_88 : i32 to vector<512x2048xi32>
    %select_n3A_90 = arith.select %eq3A_87, %iota3A_84, %broadcast_in_dim3A_89 : vector<512x2048xi1>, vector<512x2048xi32>
    %reduce_min3A_91 = arith.constant dense<2147483647> : vector<512xi32>
    %reduce_min3A_92 = vector.multi_reduction <minsi>, %select_n3A_90, %reduce_min3A_91 [1] : vector<512x2048xi32> to vector<512xi32>
    %add3A_93 = arith.constant 4096 : i32
    %add3A_94 = vector.broadcast %add3A_93 : i32 to vector<512xi32>
    %add3A_95 = arith.addi %reduce_min3A_92, %add3A_94 : vector<512xi32>
    %lt3A_96 = arith.cmpf olt, %reduce_min3A_83, %select_n3A_64 : vector<512xf32>
    %select_n3A_97 = arith.select %lt3A_96, %reduce_min3A_83, %select_n3A_64 : vector<512xi1>, vector<512xf32>
    %select_n3A_98 = arith.select %lt3A_96, %add3A_95, %select_n3A_65 : vector<512xi1>, vector<512xi32>
    %get3A_99 = arith.constant 6144 : index
    %get3A_100 = arith.constant 0 : index
    %get3A_101 = vector.load %arg3[%get3A_99, %get3A_100] : memref<8192x64xf32, #tpu.memory_space<vmem>>, vector<2048x64xf32>
    %integer_pow3A_102 = arith.mulf %get3A_101, %get3A_101 : vector<2048x64xf32>
    %reduce_sum3A_103 = arith.constant dense<0.000000e+00> : vector<2048xf32>
    %reduce_sum3A_104 = vector.multi_reduction <add>, %integer_pow3A_102, %reduce_sum3A_103 [1] : vector<2048x64xf32> to vector<2048xf32>
    %dot_general3A_105 = arith.constant dense<0.000000e+00> : vector<512x2048xf32>
    %dot_general3A_106 = tpu.matmul %get3A_3, %get3A_101, %dot_general3A_105 {dimension_numbers = #tpu.dot_dimension_numbers<[1], [1], [0], [0], [0, 0, 1, 0], [], []>, transpose_lhs_hint = false} : vector<512x64xf32>, vector<2048x64xf32>, vector<512x2048xf32> -> vector<512x2048xf32>
    %broadcast_in_dim3A_107 = vector.shape_cast %reduce_sum3A_104 : vector<2048xf32> to vector<1x2048xf32>
    %add3A_108 = vector.broadcast %get3A_8 : vector<512x1xf32> to vector<512x2048xf32>
    %add3A_109 = vector.broadcast %broadcast_in_dim3A_107 : vector<1x2048xf32> to vector<512x2048xf32>
    %add3A_110 = arith.addf %add3A_108, %add3A_109 : vector<512x2048xf32>
    %mul3A_111 = arith.constant 2.000000e+00 : f32
    %mul3A_112 = vector.broadcast %mul3A_111 : f32 to vector<512x2048xf32>
    %mul3A_113 = arith.mulf %mul3A_112, %dot_general3A_106 : vector<512x2048xf32>
    %sub3A_114 = arith.subf %add3A_110, %mul3A_113 : vector<512x2048xf32>
    %reduce_min3A_115 = arith.constant dense<0x7F800000> : vector<512xf32>
    %reduce_min3A_116 = vector.multi_reduction <minimumf>, %sub3A_114, %reduce_min3A_115 [1] : vector<512x2048xf32> to vector<512xf32>
    %iota3A_117 = tpu.iota {dimensions = array<i32: 1>} : vector<512x2048xi32>
    %broadcast_in_dim3A_118 = vector.shape_cast %reduce_min3A_116 : vector<512xf32> to vector<512x1xf32>
    %eq3A_119 = vector.broadcast %broadcast_in_dim3A_118 : vector<512x1xf32> to vector<512x2048xf32>
    %eq3A_120 = arith.cmpf oeq, %sub3A_114, %eq3A_119 : vector<512x2048xf32>
    %jit3A_121 = arith.constant 8192 : i32
    %broadcast_in_dim3A_122 = vector.broadcast %jit3A_121 : i32 to vector<512x2048xi32>
    %select_n3A_123 = arith.select %eq3A_120, %iota3A_117, %broadcast_in_dim3A_122 : vector<512x2048xi1>, vector<512x2048xi32>
    %reduce_min3A_124 = arith.constant dense<2147483647> : vector<512xi32>
    %reduce_min3A_125 = vector.multi_reduction <minsi>, %select_n3A_123, %reduce_min3A_124 [1] : vector<512x2048xi32> to vector<512xi32>
    %add3A_126 = arith.constant 6144 : i32
    %add3A_127 = vector.broadcast %add3A_126 : i32 to vector<512xi32>
    %add3A_128 = arith.addi %reduce_min3A_125, %add3A_127 : vector<512xi32>
    %lt3A_129 = arith.cmpf olt, %reduce_min3A_116, %select_n3A_97 : vector<512xf32>
    %select_n3A_130 = arith.select %lt3A_129, %add3A_128, %select_n3A_98 : vector<512xi1>, vector<512xi32>
    %swap3A = arith.constant 0 : index
    %swap3A_131 = arith.constant 0 : index
    %swap3A_132 = arith.constant 0 : index
    %swap3A_133 = vector.load %arg4[%swap3A, %swap3A_131, %swap3A_132] : memref<1x1x512xi32, #tpu.memory_space<vmem>>, vector<1x1x512xi32>
    %swap3A_134 = vector.shape_cast %swap3A_133 : vector<1x1x512xi32> to vector<512xi32>
    %swap3A_135 = vector.shape_cast %select_n3A_130 : vector<512xi32> to vector<1x1x512xi32>
    tpu.vector_store %arg4[%swap3A, %swap3A_131, %swap3A_132], %swap3A_135 {strides = array<i32>} : memref<1x1x512xi32, #tpu.memory_space<vmem>>, vector<1x1x512xi32>,
    return
  }
  func.func @transform_0(%arg0: i32) -> (i32, i32, i32) {
    %c0_i32 = arith.constant 0 : i32
    %c0_i32_0 = arith.constant 0 : i32
    %c0_i32_1 = arith.constant 0 : i32
    return %arg0, %c0_i32, %c0_i32_0 : i32, i32, i32
  }
  func.func @transform_1(%arg0: i32) -> (i32, i32, i32) {
    %c0_i32 = arith.constant 0 : i32
    %c0_i32_0 = arith.constant 0 : i32
    %c0_i32_1 = arith.constant 0 : i32
    return %arg0, %c0_i32, %c0_i32_0 : i32, i32, i32
  }
  func.func @transform_2(%arg0: i32) -> (i32, i32) {
    %c0_i32 = arith.constant 0 : i32
    %c0_i32_0 = arith.constant 0 : i32
    %c0_i32_1 = arith.constant 0 : i32
    return %c0_i32, %c0_i32_0 : i32, i32
  }
  func.func @transform_3(%arg0: i32) -> (i32, i32, i32) {
    %c0_i32 = arith.constant 0 : i32
    %c0_i32_0 = arith.constant 0 : i32
    %c0_i32_1 = arith.constant 0 : i32
    return %arg0, %c0_i32, %c0_i32_0 : i32, i32, i32
  }
}

module attributes {stable_mosaic.version = 14 : i64} {
  func.func @_finish_body(%arg0: memref<4096x64xf32, #tpu.memory_space<vmem>>, %arg1: memref<4096x128xf32, #tpu.memory_space<vmem>>, %arg2: memref<64x64xf32, #tpu.memory_space<vmem>>, %arg3: memref<4096x64xf32, #tpu.memory_space<vmem>>, %arg4: memref<4096x64xf32, #tpu.memory_space<vmem>>, %arg5: memref<1x1xf32, #tpu.memory_space<vmem>>) attributes {dimension_semantics = [], scalar_prefetch = 0 : i64, scratch_operands = 0 : i64, tpu.core_type = #tpu.core_type<tc>} {
    %get3A = arith.constant 0 : index
    %get3A_0 = arith.constant 0 : index
    %get3A_1 = vector.load %arg0[%get3A, %get3A_0] : memref<4096x64xf32, #tpu.memory_space<vmem>>, vector<4096x64xf32>
    %get3A_2 = arith.constant 0 : index
    %get3A_3 = arith.constant 0 : index
    %get3A_4 = vector.load %arg1[%get3A_2, %get3A_3] : memref<4096x128xf32, #tpu.memory_space<vmem>>, vector<4096x64xf32>
    %sub3A = arith.subf %get3A_4, %get3A_1 : vector<4096x64xf32>
    %add3A = arith.addf %get3A_1, %sub3A : vector<4096x64xf32>
    %swap3A = arith.constant 0 : index
    %swap3A_5 = arith.constant 0 : index
    %swap3A_6 = vector.load %arg3[%swap3A, %swap3A_5] : memref<4096x64xf32, #tpu.memory_space<vmem>>, vector<4096x64xf32>
    tpu.vector_store %arg3[%swap3A, %swap3A_5], %add3A {strides = array<i32>} : memref<4096x64xf32, #tpu.memory_space<vmem>>, vector<4096x64xf32>,
    %mul3A = arith.mulf %sub3A, %sub3A : vector<4096x64xf32>
    %reduce_sum3A = vector.shape_cast %mul3A : vector<4096x64xf32> to vector<1x4096x64xf32>
    %reduce_sum3A_7 = arith.constant dense<0.000000e+00> : vector<1xf32>
    %reduce_sum3A_8 = vector.multi_reduction <add>, %reduce_sum3A, %reduce_sum3A_7 [1, 2] : vector<1x4096x64xf32> to vector<1xf32>
    %reduce_sum3A_9 = vector.shape_cast %reduce_sum3A_8 : vector<1xf32> to vector<1x1x1xf32>
    %reduce_sum3A_10 = vector.extract %reduce_sum3A_9[0, 0, 0] : f32 from vector<1x1x1xf32>
    %div3A = arith.constant 2.621440e+05 : f32
    %div3A_11 = arith.divf %reduce_sum3A_10, %div3A : f32
    %mul3A_12 = arith.constant 1.250000e+00 : f32
    %mul3A_13 = arith.mulf %mul3A_12, %div3A_11 : f32
    %reshape3A = vector.broadcast %mul3A_13 : f32 to vector<1x1xf32>
    %swap3A_14 = arith.constant 0 : index
    %swap3A_15 = arith.constant 0 : index
    %swap3A_16 = vector.load %arg5[%swap3A_14, %swap3A_15] : memref<1x1xf32, #tpu.memory_space<vmem>>, vector<1x1xf32>
    tpu.vector_store %arg5[%swap3A_14, %swap3A_15], %reshape3A {strides = array<i32>} : memref<1x1xf32, #tpu.memory_space<vmem>>, vector<1x1xf32>,
    %get3A_17 = arith.constant 0 : index
    %get3A_18 = arith.constant 0 : index
    %get3A_19 = vector.load %arg2[%get3A_17, %get3A_18] : memref<64x64xf32, #tpu.memory_space<vmem>>, vector<64x64xf32>
    %dot_general3A = arith.constant dense<0.000000e+00> : vector<4096x64xf32>
    %dot_general3A_20 = tpu.matmul %add3A, %get3A_19, %dot_general3A {dimension_numbers = #tpu.dot_dimension_numbers<[1], [1], [0], [0], [0, 0, 1, 0], [], []>, transpose_lhs_hint = false} : vector<4096x64xf32>, vector<64x64xf32>, vector<4096x64xf32> -> vector<4096x64xf32>
    %gt3A = arith.constant 0.000000e+00 : f32
    %gt3A_21 = vector.broadcast %gt3A : f32 to vector<4096x64xf32>
    %gt3A_22 = arith.cmpf ogt, %dot_general3A_20, %gt3A_21 : vector<4096x64xf32>
    %convert_element_type3A = arith.extui %gt3A_22 : vector<4096x64xi1> to vector<4096x64xi32>
    %convert_element_type3A_23 = arith.sitofp %convert_element_type3A : vector<4096x64xi32> to vector<4096x64xf32>
    %swap3A_24 = arith.constant 0 : index
    %swap3A_25 = arith.constant 0 : index
    %swap3A_26 = vector.load %arg4[%swap3A_24, %swap3A_25] : memref<4096x64xf32, #tpu.memory_space<vmem>>, vector<4096x64xf32>
    tpu.vector_store %arg4[%swap3A_24, %swap3A_25], %convert_element_type3A_23 {strides = array<i32>} : memref<4096x64xf32, #tpu.memory_space<vmem>>, vector<4096x64xf32>,
    return
  }
}

</mosaic_0001>

<sc_bundles>
// kernel: kernel.6.cloned.1.call-start
scs
__scs_entry_jumppad:
0x0: {  	(pc) =	sbr.rel $0x88, $3  }
0x1: {  	(tag) =	ssettag $0x0;
	lr =	simm.s32 $0x1  }
0x2: {  	[smem:$0x3F8C] =	sst lr;
	_ =	strace $0xD0000000  }
0x3: {  	_ = 	snop  }
0x4: {  	_ = 	snop  }
0x5: {  	_ = 	snop  }
0x6: {  	_ = 	snop  }
0x7: {  	_ = 	snop  }
__scs_overlays_trampoline_lowered:
0x8: {  	[smem:$0x3F9B] =	sst s0  }
0x9: {  	[smem:$0x3F9C] =	sst s1  }
0xa: {  	[smem:$0x3F9D] =	sst s2  }
0xb: {  	[smem:$0x3F9E] =	sst s3  }
0xc: {  	[smem:$0x3F9F] =	sst s4  }
0xd: {  	[smem:$0x3FA0] =	sst s5  }
0xe: {  	[smem:$0x3FA1] =	sst s6  }
0xf: {  	[smem:$0x3FA2] =	sst s7  }
0x10: {  	[smem:$0x3FA3] =	sst s8  }
0x11: {  	[smem:$0x3FA4] =	sst s9;
	s0 =	simm.s32 @!p0 $0x0  }
0x12: {  	s1 =	sld [smem:$0x3F8A];
	s0 =	simm.s32 @p0 $0x1  }
0x13: {  	[smem:$0x3FA5] =	sst s0;
	s0 =	simm.s32 @!p1 $0x0  }
0x14: {  	s2 =	sld [smem:$0x3F89];
	s0 =	simm.s32 @p1 $0x1  }
0x15: {  	[smem:$0x3FA6] =	sst s0;
	s0 =	simm.s32 @!p2 $0x0  }
0x16: {  	s3 =	sld [smem:$0x3FDB];
	s0 =	simm.s32 @p2 $0x1  }
0x17: {  	s4 =	simm.s32 $0x1BF5;
	[smem:$0x3FA8] =	sst s0  }
0x18: {  	s0 =	sld [smem:$0x3F8B];
	_ =	swait.ge [sflag:s4], $0x0  }
0x19: {  	s7 =	sld [smem:$0x3F8C]  }
0x1a: {  	s8 =	sadd.s32 $0xFFFFE003, lr  }
0x1b: {  	s9 =	sadd.s32 $0xFFFFFEF7, lr;
	s5 =	simm.s32 $0xFFFFFFFF;
	p2 =	slt.u32 s8, $0xFFFFF086  }
0x1c: {  	p1 =	slt.u32 s9, $0xF7A;
	s5 =	simm.s32 @!p2 $0x0  }
0x1d: {  	s5 =	simm.s32 @p1 $0x1;
	p0 =	seq.s32 s7, s2  }
0x1e: {  	s7 =	smul.u32 @!p0 $0xF7A, s2;
	p2 =	seq.s32 @!p0 s5, $0x0  }
0x1f: {  	s9 =	smul.u32 $0xF7A, s1;
	s8 =	simm.s32 @!p0 $0x1BF5;
	p2 =	por !p2, p0  }
0x20: {  	[sflag:s8] =	ssyncset.s32 @!p0 $0xFFFFF086;
	s6 =	sadd.s32 @!p0 s3, s7;
	s7 =	simm.s32 @!p0 $0x108  }
0x21: {  	s3 =	sadd.s32 s3, s9;
	s6 =	sadd.s32 @!p0 $0x88, s6;
	s7 =	simm.s32 @p2 $0x1082  }
0x22: {  	[simem:s7], [sflag:s8] =	dma.local @!p0 [hbm:s6], $0xF7A  }
0x23: {  	s9 =	sor.u32 $0xD0000000, s2;
	s6 =	simm.s32 $0x108;
	_ =	swait.ge @!p0 [sflag:s8], $0x0  }
0x24: {  	s3 =	sadd.s32 $0x88, s3;
	s6 =	simm.s32 @!p1 $0x1082;
	[sflag:s4] =	ssyncset.s32 $0xFFFFF086  }
0x25: {  	[simem:s6], [sflag:s4] =	dma.local [hbm:s3], $0xF7A  }
0x26: {  	[smem:$0x3F8C] =	sst s1;
	(tag) =	ssettag s2;
	_ =	strace s9  }
0x27: {  	s1 =	sld [smem:$0x3F9C]  }
0x28: {  	s2 =	sld [smem:$0x3F9D]  }
0x29: {  	s4 =	sld [smem:$0x3F9F]  }
0x2a: {  	p0 =	seq.s32 s5, $0x0;
	s5 =	sld [smem:$0x3FA0]  }
0x2b: {  	s6 =	sld [smem:$0x3FA1]  }
0x2c: {  	s7 =	sld [smem:$0x3FA2]  }
0x2d: {  	s3 =	simm.s32 $0x108;
	s8 =	sld [smem:$0x3FA3]  }
0x2e: {  	s3 =	simm.s32 @!p0 $0x1082;
	s9 =	sld [smem:$0x3FA4]  }
0x2f: {  	lr =	sadd.s32 s0, s3;
	s0 =	sld [smem:$0x3F9B]  }
0x30: {  	s3 =	sld [smem:$0x3F9E]  }
0x31: {  	[smem:$0x3FA7] =	sst s10  }
0x32: {  	s10 =	sld [smem:$0x3FA5];
	_ =	sdelay $0x3  }
0x33: {  	p0 =	seq.s32 s10, $0x1;
	s10 =	sld [smem:$0x3FA7];
	_ =	sdelay $0x3  }
0x34: {  	[smem:$0x3FA7] =	sst s10  }
0x35: {  	s10 =	sld [smem:$0x3FA6];
	_ =	sdelay $0x3  }
0x36: {  	p1 =	seq.s32 s10, $0x1;
	s10 =	sld [smem:$0x3FA7];
	_ =	sdelay $0x3  }
0x37: {  	[smem:$0x3FA7] =	sst s10  }
0x38: {  	s10 =	sld [smem:$0x3FA8]  }
0x39: {  	_ = 	snop;
	(pc) =	sbr.ind lr, $3  }
0x3a: {  	_ = 	snop  }
0x3b: {  	_ = 	snop  }
0x3c: {  	p2 =	seq.s32 s10, $0x1;
	s10 =	sld [smem:$0x3FA7]  }
0x3d: {  	_ =	shalt  }
0x3e: {  	_ =	shalt  }
0x3f: {  	_ =	shalt  }
0x40: {  	_ =	shalt  }
0x41: {  	_ =	shalt  }
0x42: {  	_ =	shalt  }
0x43: {  	_ =	shalt  }
0x44: {  	_ =	shalt  }
0x45: {  	_ =	shalt  }
0x46: {  	_ =	shalt  }
0x47: {  	_ =	shalt  }
0x48: {  	_ =	shalt  }
0x49: {  	_ =	shalt  }
0x4a: {  	_ =	shalt  }
0x4b: {  	_ =	shalt  }
0x4c: {  	_ =	shalt  }
0x4d: {  	_ =	shalt  }
0x4e: {  	_ =	shalt  }
0x4f: {  	_ =	shalt  }
0x50: {  	_ =	shalt  }
0x51: {  	_ =	shalt  }
0x52: {  	_ =	shalt  }
0x53: {  	_ =	shalt  }
0x54: {  	_ =	shalt  }
0x55: {  	_ =	shalt  }
0x56: {  	_ =	shalt  }
0x57: {  	_ =	shalt  }
0x58: {  	_ =	shalt  }
0x59: {  	_ =	shalt  }
0x5a: {  	_ =	shalt  }
0x5b: {  	_ =	shalt  }
0x5c: {  	_ =	shalt  }
0x5d: {  	_ =	shalt  }
0x5e: {  	_ =	shalt  }
0x5f: {  	_ =	shalt  }
0x60: {  	_ =	shalt  }
0x61: {  	_ =	shalt  }
0x62: {  	_ =	shalt  }
0x63: {  	_ =	shalt  }
0x64: {  	_ =	shalt  }
0x65: {  	_ =	shalt  }
0x66: {  	_ =	shalt  }
0x67: {  	_ =	shalt  }
0x68: {  	_ =	shalt  }
0x69: {  	_ =	shalt  }
0x6a: {  	_ =	shalt  }
0x6b: {  	_ =	shalt  }
0x6c: {  	_ =	shalt  }
0x6d: {  	_ =	shalt  }
0x6e: {  	_ =	shalt  }
0x6f: {  	_ =	shalt  }
0x70: {  	_ =	shalt  }
0x71: {  	_ =	shalt  }
0x72: {  	_ =	shalt  }
0x73: {  	_ =	shalt  }
0x74: {  	_ =	shalt  }
0x75: {  	_ =	shalt  }
0x76: {  	_ =	shalt  }
0x77: {  	_ =	shalt  }
0x78: {  	_ =	shalt  }
0x79: {  	_ =	shalt  }
0x7a: {  	_ =	shalt  }
0x7b: {  	_ =	shalt  }
0x7c: {  	_ =	shalt  }
0x7d: {  	_ =	shalt  }
0x7e: {  	_ =	shalt  }
0x7f: {  	_ =	shalt  }
0x80: {  	_ =	shalt  }
0x81: {  	_ =	shalt  }
0x82: {  	_ =	shalt  }
0x83: {  	_ =	shalt  }
0x84: {  	_ =	shalt  }
0x85: {  	_ =	shalt  }
0x86: {  	_ =	shalt  }
0x87: {  	_ =	shalt  }
.Lfunc_end0:
.L_simem_size_0:
called_computation_lowered:
.L_overlay_start_0:
0x88: {  	s2 =	sld [smem:$0x3FD9]  }
0x89: {  	s3 =	sld [smem:$0x3FFE];
	_ =	sdelay $0x1  }
0x8a: {  	s1 =	srdreg.scid  }
0x8b: {  	s0 =	sand.u32 $0x1, s1  }
0x8c: {  	s14 =	sshll.u32 s0, $0xA;
	s2 =	sadd.s32 s3, s2  }
0x8d: {  	s2 =	sadd.s32 s2, s14  }
0x8e: {  	[smem:$0x3FB3] =	sst s2  }
0x8f: {  	_ = 	snop  }
0x90: {  	s2 =	sld [smem:$0x3FD0];
	_ =	sdelay $0x2  }
0x91: {  	s15 =	simm.s32 $0xA;
	s4 =	simm.s32 $0x10  }
0x92: {  	[smem:s4], [sflag:s15] =	dma.local [hbm:s2], $0x1  }
0x93: {  	_ =	swait.eq [sflag:s15], $0x1  }
0x94: {  	[sflag:s15] =	ssyncset.done $0x0  }
0x95: {  	[sflag:s15] =	ssyncadd.s32 $0xFFFFFFFF  }
0x96: {  	s16 =	sld [smem:$0x13];
	(tm) =	ssettm $0x1  }
0x97: {  	s17 =	sld [smem:$0x3FFB];
	_ =	sdelay $0x3  }
0x98: {  	_ =	strace s17  }
0x99: {  	s3 =	sld [smem:$0x3FFC];
	_ =	sdelay $0x3  }
0x9a: {  	_ =	strace s3  }
0x9b: {  	s3 =	sld [smem:$0x3FFD];
	_ =	sdelay $0x3  }
0x9c: {  	_ =	strace s3  }
0x9d: {  	_ =	strace $0x8FFFFFFF  }
0x9e: {  	s18 =	sld [smem:$0x3FDB];
	_ =	sdelay $0x1  }
0x9f: {  	s19 =	simm.s32 $_scs_section_size  }
0xa0: {  	s5 =	simm.s32 $_size__tile_overlayer_lowered;
	s6 =	simm.s32 $_tile_overlayer_lowered  }
0xa1: {  	s22 =	simm.s32 $0x1BFF;
	s21 =	sshll.u32 s6, $0x1;
	s3 =	sadd.s32 s19, s18  }
0xa2: {  	s7 =	simm.s32 $0x0;
	s20 =	sshll.u32 s5, $0x1;
	s5 =	sadd.s32 s21, s3  }
0xa3: {  	[timem:s7], [sflag:s22] =	dma.local [hbm:s5], s20  }
0xa4: {  	_ =	swait.ge [sflag:s22], s20  }
0xa5: {  	s4 =	ssub.s32 $0x0, s20;
	[sflag:s22] =	ssyncset.done $0x0  }
0xa6: {  	[sflag:s22] =	ssyncadd.s32 s4;
	_ =	sdelay $0x1  }
0xa7: {  	s23 =	simm.s32 $0x1B8B  }
0xa8: {  	_ =	swait.ge [sflag:s23], $0x1  }
0xa9: {  	[sflag:s23] =	ssyncset.done $0x0  }
0xaa: {  	s25 =	simm.s32 $0x1B8E;
	s24 =	sld [smem:$0x3FFE];
	[sflag:s23] =	ssyncadd.s32 $0xFFFFFFFF  }
0xab: {  	s26 =	simm.s32 $execute0_lowered;
	[smem:$0x3FD2] =	sst s25  }
0xac: {  	s5 =	sshll.u32 s26, $0x1;
	_ =	strace $0x80000046;
	[dreg:$0x1] =	wrdreg $0xFFFFFFFF  }
0xad: {  	s28 =	simm.s32 $_size_execute0_lowered;
	s3 =	sadd.s32 s3, s5;
	[dreg:$0x0] =	wrdreg $0x0  }
0xae: {  	s5 =	sshll.u32 s28, $0x1;
	[dreg:$0x2] =	wrdreg s3  }
0xaf: {  	[dreg:$0x3] =	wrdreg s5  }
0xb0: {  	[dreg:$0x4] =	wrdreg $0xC0  }
0xb1: {  	_ =	task [dreg:s7], $0x5FFFF  }
0xb2: {  	[dreg:$0x1] =	wrdreg $0xFFFFFFFF  }
0xb3: {  	[dreg:$0x0] =	wrdreg $0x60  }
0xb4: {  	[dreg:$0x2] =	wrdreg s24  }
0xb5: {  	[dreg:$0x3] =	wrdreg s16  }
0xb6: {  	[dreg:$0x4] =	wrdreg $0x9  }
0xb7: {  	_ =	task.clear_ibuf [dreg:s7], $0x5FFFF;
	_ =	strace $0x90000046  }
0xb8: {  	s29 =	simm.s32 $0x9;
	_ =	strace $0x8000004F  }
0xb9: {  	_ =	swait.ge [sflag:s29], $0x1  }
0xba: {  	[sflag:s29] =	ssyncadd.s32 $0xFFFFFFFF  }
0xbb: {  	_ =	strace $0x9000004F  }
0xbc: {  	_ =	sfence  }
0xbd: {  	s30 =	sld [smem:$0x0];
	_ =	sdelay $0x2  }
0xbe: {  	s31 =	sshll.u32 s1, $0xD;
	s1 =	sshrl.u32 s1, $0x2  }
0xbf: {  	s3 =	sand.u32 $0x4000, s31;
	s1 =	sadd.s32 s1, s30  }
0xc0: {  	s0 =	sor.u32 s3, s0;
	s1 =	sshll.u32 s1, $0x11  }
0xc1: {  	s0 =	sor.u32 s1, s0  }
0xc2: {  	s0 =	sadd.s32 $0x8F2B, s0  }
0xc3: {  	[sflag:s0] =	ssyncadd.remote.s32 $0x1  }
0xc4: {  	_ =	sfence.sel $0xFFFF  }
0xc5: {  	[dreg:$0x0] =	wrdreg $0xFFFFFFFF;
	(pc) =	sbr.abs _section_cstart, $3  }
0xc6: {  	[dreg:$0x1] =	wrdreg $0xFFFFFFFF  }
0xc7: {  	_ =	task.clear_ibuf [dreg:s7], $0x2FFFF;
	_ =	strace $0x9FFFFFFF  }
0xc8: {  	(tm) =	ssettm $0x7FFFFFFF  }
0xc9: {  	_ =	shalt  }
tec
execute0_lowered:
.L_overlay_start_1:
0x0: {  	(tag) =	ssettag $0x1  }
0x1: {  	s10 =	rddreg [dreg:$0x0]  }
0x2: {  	s3 =	rddreg [dreg:$0x1];
	s2 =	simm.s32 $0x0  }
0x3: {  	s1 =	stileid.u32;
	[smem:$0x7FF] =	sst s2  }
0x4: {  	s0 =	rddreg [dreg:$0x2];
	s4 =	sshll.u32 s1, $0x5;
	_ =	strace $0x80000047  }
0x5: {  	s3 =	sadd.s32 s3, s4;
	_ =	strace $0x80000048  }
0x6: {  	[tilespmem:s2], [sflag:$0x1] =	stream.linear.gather [hbm4b:s3+s2], $0x80, $0x200038;
	[tilespmem:$0x8100] =	vst v63  }
0x7: {  	_ =	strace $0x90000048  }
0x8: {  	s5 =	simm.s32 $0x80;
	s4 =	sadd.s32 $0x10, s3;
	_ =	strace $0x80000049  }
0x9: {  	[tilespmem:s5], [sflag:$0x2] =	stream.linear.gather [hbm4b:s4+s2], $0x80, $0x200038;
	[tilespmem:$0x8100] =	vst v63  }
0xa: {  	_ =	strace $0x90000049  }
0xb: {  	s6 =	simm.s32 $0x1;
	_ =	strace $0x8000004A  }
0xc: {  	_ =	swait.ge [sflag:s6], $0x80  }
0xd: {  	[sflag:s6] =	ssyncset.done $0x0  }
0xe: {  	[sflag:s6] =	ssyncadd.s32 $0xFFFFFF80  }
0xf: {  	s8 =	simm.s32 $0x100;
	_ =	strace $0x9000004A  }
0x10: {  	s9 =	simm.s32 $0x5;
	s7 =	sadd.s32 $0x3000, s10;
	_ =	strace $0x8000004B  }
0x11: {  	[tilespmem:s8], [sflag:$0x5] =	stream.indirect.gather [hbm4b:s7+s5], $0x80, s2, s5, $0x2000b8;
	[tilespmem:$0x8100] =	vst v63  }
0x12: {  	_ =	swait.ge [sflag:s9], $0x4000  }
0x13: {  	[sflag:s9] =	ssyncset.done $0x0  }
0x14: {  	s11 =	sshll.u32 s1, $0xC;
	[sflag:s9] =	ssyncadd.s32 $0xFFFFC000  }
0x15: {  	s13 =	sadd.s32 s11, s10;
	_ =	strace $0x9000004B  }
0x16: {  	s10 =	sadd.s32 $0x23000, s13;
	_ =	strace $0x8000004C  }
0x17: {  	[hbm4b:s10+s2] =	stream.linear.scatter [tilespmem:s8], [sflag:$0x3], $0x4000, $0x200038;
	[tilespmem:$0x8100] =	vst v63  }
0x18: {  	_ =	strace $0x9000004C  }
0x19: {  	s11 =	simm.s32 $0x2;
	_ =	strace $0x8000004A  }
0x1a: {  	_ =	swait.ge [sflag:s11], $0x80  }
0x1b: {  	[sflag:s11] =	ssyncset.done $0x0  }
0x1c: {  	[sflag:s11] =	ssyncadd.s32 $0xFFFFFF80  }
0x1d: {  	_ =	strace $0x9000004A  }
0x1e: {  	s12 =	simm.s32 $0x4100;
	_ =	strace $0x8000004B  }
0x1f: {  	[tilespmem:s12], [sflag:$0x5] =	stream.indirect.gather [hbm4b:s7+s5], $0x80, s5, s5, $0x2000b8;
	[tilespmem:$0x8100] =	vst v63  }
0x20: {  	_ =	swait.ge [sflag:s9], $0x4000  }
0x21: {  	[sflag:s9] =	ssyncset.done $0x0  }
0x22: {  	[sflag:s9] =	ssyncadd.s32 $0xFFFFC000  }
0x23: {  	s15 =	srdreg.scid;
	_ =	strace $0x9000004B  }
0x24: {  	s15 =	sand.u32 $0x1, s15;
	s13 =	sadd.s32 $0x23800, s13;
	_ =	strace $0x8000004C  }
0x25: {  	[hbm4b:s13+s2] =	stream.linear.scatter [tilespmem:s12], [sflag:$0x4], $0x4000, $0x200038;
	[tilespmem:$0x8100] =	vst v63  }
0x26: {  	s15 =	ssub.s32 $0x2, s15;
	_ =	strace $0x9000004C  }
0x27: {  	s14 =	simm.s32 $0x3;
	s16 =	sshrl.u32 s15, $0x1;
	_ =	strace $0x8000004D  }
0x28: {  	s16 =	ssub.s32 s15, s16;
	_ =	swait.ge [sflag:s14], $0x4000  }
0x29: {  	s16 =	smax.u32 s16, $0x1;
	[sflag:s14] =	ssyncset.done $0x0  }
0x2a: {  	p0 =	sne.s32 s16, $0x1;
	[sflag:s14] =	ssyncadd.s32 $0xFFFFC000  }
.Ltmp0:
0x2b: {  	_ =	strace $0x9000004D;
	(pc) =	sbr.rel @!p0 .LBB2_2-.Ltmp0, $4  }
0x2c: {  	s15 =	simm.s32 $0x4;
	_ =	strace $0x8000004E  }
0x2d: {  	_ =	swait.ge [sflag:s15], $0x4000  }
0x2e: {  	[sflag:s15] =	ssyncset.done $0x0  }
0x2f: {  	s16 =	sadd.s32 $0xFFFFFFFF, s16;
	[sflag:s15] =	ssyncadd.s32 $0xFFFFC000  }
.LBB2_1:
0x30: {  	p0 =	sne.s32 s16, $0x1;
	s16 =	sadd.s32 $0xFFFFFFFF, s16;
	_ =	strace $0x9000004E  }
0x31: {  	_ =	strace $0x80000048  }
0x32: {  	[tilespmem:s2], [sflag:$0x1] =	stream.linear.gather [hbm4b:s3+s2], $0x80, $0x200038;
	[tilespmem:$0x8100] =	vst v63  }
0x33: {  	_ =	strace $0x90000048  }
0x34: {  	_ =	strace $0x80000049  }
0x35: {  	[tilespmem:s5], [sflag:$0x2] =	stream.linear.gather [hbm4b:s4+s2], $0x80, $0x200038;
	[tilespmem:$0x8100] =	vst v63  }
0x36: {  	_ =	strace $0x90000049  }
0x37: {  	_ =	strace $0x8000004A  }
0x38: {  	_ =	swait.ge [sflag:s6], $0x80  }
0x39: {  	[sflag:s6] =	ssyncset.done $0x0  }
0x3a: {  	[sflag:s6] =	ssyncadd.s32 $0xFFFFFF80  }
0x3b: {  	_ =	strace $0x9000004A  }
0x3c: {  	_ =	strace $0x8000004B  }
0x3d: {  	[tilespmem:s8], [sflag:$0x5] =	stream.indirect.gather [hbm4b:s7+s5], $0x80, s2, s5, $0x2000b8;
	[tilespmem:$0x8100] =	vst v63  }
0x3e: {  	_ =	swait.ge [sflag:s9], $0x4000  }
0x3f: {  	[sflag:s9] =	ssyncset.done $0x0  }
0x40: {  	[sflag:s9] =	ssyncadd.s32 $0xFFFFC000  }
0x41: {  	_ =	strace $0x9000004B  }
0x42: {  	_ =	strace $0x8000004C  }
0x43: {  	[hbm4b:s10+s2] =	stream.linear.scatter [tilespmem:s8], [sflag:$0x3], $0x4000, $0x200038;
	[tilespmem:$0x8100] =	vst v63  }
0x44: {  	_ =	strace $0x9000004C  }
0x45: {  	_ =	strace $0x8000004A  }
0x46: {  	_ =	swait.ge [sflag:s11], $0x80  }
0x47: {  	[sflag:s11] =	ssyncset.done $0x0  }
0x48: {  	[sflag:s11] =	ssyncadd.s32 $0xFFFFFF80  }
0x49: {  	_ =	strace $0x9000004A  }
0x4a: {  	_ =	strace $0x8000004B  }
0x4b: {  	[tilespmem:s12], [sflag:$0x5] =	stream.indirect.gather [hbm4b:s7+s5], $0x80, s5, s5, $0x2000b8;
	[tilespmem:$0x8100] =	vst v63  }
0x4c: {  	_ =	swait.ge [sflag:s9], $0x4000  }
0x4d: {  	[sflag:s9] =	ssyncset.done $0x0  }
0x4e: {  	[sflag:s9] =	ssyncadd.s32 $0xFFFFC000  }
0x4f: {  	_ =	strace $0x9000004B  }
0x50: {  	_ =	strace $0x8000004C  }
0x51: {  	[hbm4b:s13+s2] =	stream.linear.scatter [tilespmem:s12], [sflag:$0x4], $0x4000, $0x200038;
	[tilespmem:$0x8100] =	vst v63  }
0x52: {  	_ =	strace $0x9000004C  }
0x53: {  	_ =	strace $0x8000004D  }
0x54: {  	_ =	swait.ge [sflag:s14], $0x4000  }
0x55: {  	[sflag:s14] =	ssyncset.done $0x0  }
0x56: {  	[sflag:s14] =	ssyncadd.s32 $0xFFFFC000  }
.Ltmp1:
0x57: {  	_ =	strace $0x9000004D;
	(pc) =	sbr.rel @p0 .LBB2_1-.Ltmp1, $4  }
0x58: {  	_ =	strace $0x8000004E  }
0x59: {  	_ =	swait.ge [sflag:s15], $0x4000  }
0x5a: {  	[sflag:s15] =	ssyncset.done $0x0  }
0x5b: {  	[sflag:s15] =	ssyncadd.s32 $0xFFFFC000  }
.LBB2_2:
0x5c: {  	_ =	strace $0x9000004E  }
0x5d: {  	_ =	sfence.sel $0x180000  }
0x5e: {  	[bflag:$0x0] =	sbarrier.arrive $0xFFFF  }
0x5f: {  	p0 =	sne.s32 s1, $0x0;
	_ =	strace $0x90000047  }
0x60: {  	s0 =	sadd.s32 @!p0 $0x100000, s0;
	[bflag:$0x2] =	sbarrier.arrive $0xFFFF  }
0x61: {  	[sflag:s0] =	ssyncadd.tile.s32 @!p0 $0x1;
	_ =	shalt  }
.Lfunc_end2:
_tile_overlayer_lowered:
.L_overlay_start_2:
0x62: {  	(tag) =	ssettag $0x2  }
0x63: {  	s0 =	rddreg [dreg:$0x0];
	s2 =	stileid.u32  }
0x64: {  	s1 =	rddreg [dreg:$0x1];
	p0 =	sne.s32 s2, $0x0  }
0x65: {  	s3 =	rddreg [dreg:$0x2];
	[bflag:$0x3] =	sbarrier.arrive $0xFFFF;
	s2 =	simm.s32 @!p0 $0x1C01  }
0x66: {  	[timem:s3], [sflag:s2] =	dma.local @!p0 [hbm:s0], s1  }
0x67: {  	s0 =	simm.s32 @!p0 $0x1  }
0x68: {  	_ =	swait.ge @!p0 [sflag:s0], s1  }
0x69: {  	s1 =	ssub.s32 @!p0 $0x0, s1;
	[sflag:s0] =	ssyncset.done @!p0 $0x0  }
0x6a: {  	[sflag:s0] =	ssyncadd.s32 @!p0 s1  }
0x6b: {  	[bflag:$0x3] =	sbarrier.arrive $0xFFFF  }
0x6c: {  	_ =	shalt  }

</sc_bundles>
